<compile_context>
chip_gen: v7x
topology: tpu7x:2x2x1
jax: 0.10.2.dev20260603
libtpu: 0.0.44.dev20260713+nightly
codegen_flags: <defaults>
</compile_context>

<pallas_src>
import functools

import jax
import jax.numpy as jnp
from jax import lax
from jax.experimental import pallas as pl
from jax.experimental.pallas import tpu as pltpu
from jax.experimental.pallas import tpu_sc as plsc

N_NODES = 10000
D = 128
DH = D // 2
NC = 2
NS = 16
L = 16
CHUNK = 128
SB = 4
SRING = 3

ROWS_PER_TILE = N_NODES // NS
ZROWS = 125


def _sc_body(n_sb, rows_hbm, cols_hbm, w_hbm, x_hbm, out_hbm,
             rring, cring, wring, gb, xs, acc, gsem, ssem, isem):
    c = lax.axis_index("c")
    s = lax.axis_index("s")

    r0 = s * ROWS_PER_TILE
    pltpu.sync_copy(x_hbm.at[c, pl.ds(r0, ROWS_PER_TILE), :],
                    xs.at[pl.ds(r0, ROWS_PER_TILE), :])

    zeros = jnp.zeros((L,), jnp.float32)

    def zrow(i, _):
        for v in range(DH // L):
            gb[0, i, pl.ds(v * L, L)] = zeros
        return 0
    lax.fori_loop(0, CHUNK, zrow, 0)
    for k in range(ROWS_PER_TILE // ZROWS):
        pltpu.sync_copy(gb.at[0, pl.ds(0, ZROWS), :],
                        acc.at[pl.ds(r0 + k * ZROWS, ZROWS), :])
    plsc.subcore_barrier()

    def stage_descs(k, sl):
        return (pltpu.make_async_copy(rows_hbm.at[s, k], rring.at[sl], isem),
                pltpu.make_async_copy(cols_hbm.at[s, k], cring.at[sl], isem),
                pltpu.make_async_copy(w_hbm.at[s, k], wring.at[sl], isem))

    def gather_desc(sl, cb, b):
        return pltpu.make_async_copy(xs.at[cring.at[sl, cb]], gb.at[b], gsem)

    def scatter_desc(sl, cb, b):
        return pltpu.make_async_copy(gb.at[b], acc.at[rring.at[sl, cb]], ssem)

    for d in stage_descs(0, 0):
        d.start()
    for d in stage_descs(1, 1):
        d.start()
    for d in stage_descs(0, 0) + stage_descs(1, 1):
        d.wait()
    for d in stage_descs(2, 2):
        d.start()
    gather_desc(0, 0, 0).start()
    gather_desc(0, 1, 1).start()

    def outer(k, _):
        sl0 = lax.rem(k, SRING)
        sl1 = lax.rem(k + 1, SRING)
        sl2 = lax.rem(k + 2, SRING)

        @pl.when(jnp.logical_and(k >= 1, k + 1 < n_sb))
        def _():
            for d in stage_descs(k + 1, sl1):
                d.wait()

        for cb in range(SB):
            j = k * SB + cb
            b = cb
            gather_desc(sl0, cb, b).wait()
            ebase = cb * CHUNK

            def escale(e, _):
                w16 = plsc.load_gather(
                    wring, [jnp.broadcast_to(sl0, (L,)),
                            jnp.broadcast_to(ebase + e, (L,))])
                for v in range(DH // L):
                    gb[b, e, pl.ds(v * L, L)] = gb[b, e, pl.ds(v * L, L)] * w16
                return 0
            lax.fori_loop(0, CHUNK, escale, 0, unroll=2)

            nb = (cb + 2) % SB
            pcb = cb - 2 if cb >= 2 else cb + 2
            psl = sl0 if cb >= 2 else lax.rem(k + SRING - 1, SRING)

            @pl.when(j >= 2)
            def _():
                scatter_desc(psl, pcb, nb).wait()

            if cb == 2:
                @pl.when(jnp.logical_and(k >= 1, k + 2 < n_sb))
                def _():
                    for d in stage_descs(k + 2, sl2):
                        d.start()

            ncb = cb + 2 if cb < 2 else cb - 2
            nsl = sl0 if cb < 2 else sl1

            @pl.when(j + 2 < n_sb * SB)
            def _():
                gather_desc(nsl, ncb, nb).start()

            pltpu.async_copy(gb.at[b], acc.at[rring.at[sl0, cb]], ssem,
                             add=True)
        return 0
    lax.fori_loop(0, n_sb, outer, 0)
    last_sl = lax.rem(n_sb - 1, SRING)
    scatter_desc(last_sl, SB - 2, SB - 2).wait()
    scatter_desc(last_sl, SB - 1, SB - 1).wait()
    plsc.subcore_barrier()

    for k in range(ROWS_PER_TILE // ZROWS):
        rr = r0 + k * ZROWS
        pltpu.sync_copy(acc.at[pl.ds(rr, ZROWS), :],
                        out_hbm.at[pl.ds(rr, ZROWS), pl.ds(c * DH, DH)])


def kernel(edge_index, edge_weight, X):
    rows = edge_index[0].astype(jnp.int32)
    cols = edge_index[1].astype(jnp.int32)
    w = edge_weight.astype(jnp.float32)
    n_edges = rows.shape[0]

    epg = NS * CHUNK * SB
    n_pad = (-n_edges) % epg
    if n_pad:
        rows = jnp.concatenate([rows, jnp.zeros((n_pad,), jnp.int32)])
        cols = jnp.concatenate([cols, jnp.zeros((n_pad,), jnp.int32)])
        w = jnp.concatenate([w, jnp.zeros((n_pad,), jnp.float32)])
    e_pad = n_edges + n_pad
    n_sb = e_pad // epg
    rows4 = rows.reshape(NS, n_sb, SB, CHUNK)
    cols4 = cols.reshape(NS, n_sb, SB, CHUNK)
    w3 = w.reshape(NS, n_sb, SB * CHUNK)
    x3 = jnp.stack([X[:, :DH], X[:, DH:]])

    mesh = plsc.VectorSubcoreMesh(core_axis_name="c", subcore_axis_name="s")
    f = pl.kernel(
        functools.partial(_sc_body, n_sb),
        out_type=jax.ShapeDtypeStruct((N_NODES, D), jnp.float32),
        mesh=mesh,
        compiler_params=pltpu.CompilerParams(use_tc_tiling_on_sc=False,
                                             needs_layout_passes=False),
        scratch_types=[
            pltpu.VMEM((SRING, SB, CHUNK), jnp.int32),
            pltpu.VMEM((SRING, SB, CHUNK), jnp.int32),
            pltpu.VMEM((SRING, SB * CHUNK), jnp.float32),
            pltpu.VMEM((SB, CHUNK, DH), jnp.float32),
            pltpu.VMEM_SHARED((N_NODES, DH), jnp.float32),
            pltpu.VMEM_SHARED((N_NODES, DH), jnp.float32),
            pltpu.SemaphoreType.DMA,
            pltpu.SemaphoreType.DMA,
            pltpu.SemaphoreType.DMA,
        ],
    )
    return f(rows4, cols4, w3, x3)

# --- scband reference (transcript-rebuilt; emitter-appended) ---
"""Pipeline reference for scband-light-gcnconv-78683800863295 (READ-ONLY COPY).

The authoritative reference and input builder live on the scoring server;
editing this copy changes nothing except your own understanding.
"""

import jax, jax.numpy as jnp
import numpy as np

N_NODES = 10000
N_EDGES = 320000
D_FEAT = 128


def setup_inputs(seed: int = 0) -> dict:
    key = jax.random.key(seed)
    k1, k2, k3 = jax.random.split(key, 3)
    edge_index = jax.random.randint(k1, (2, N_EDGES), 0, N_NODES, dtype=jnp.int64) if jax.config.jax_enable_x64 else jax.random.randint(k1, (2, N_EDGES), 0, N_NODES, dtype=jnp.int32)
    edge_weight = jax.random.uniform(k2, (N_EDGES,), dtype=jnp.float32)
    X = jax.random.normal(k3, (N_NODES, D_FEAT), dtype=jnp.float32)
    return {"edge_index": edge_index, "edge_weight": edge_weight, "X": X}


def reference(edge_index, edge_weight, X):
    # LightGCNConv.forward: side_embeddings = torch.sparse.mm(R, X)
    # R is a sparse [N, N] matrix given in COO form:
    #   rows = edge_index[0] (destination), cols = edge_index[1] (source),
    #   values = edge_weight (e.g. symmetric-normalized adjacency weights).
    # sparse.mm(R, X)[i] = sum_j R[i, j] * X[j]
    rows = edge_index[0]
    cols = edge_index[1]
    gathered = jnp.take(X, cols, axis=0) * edge_weight[:, None]
    side_embeddings = jax.ops.segment_sum(gathered, rows, num_segments=N_NODES)
    return side_embeddings

if __name__ == "__main__":
    import jax
    _d = setup_inputs()
    print(jax.jit(kernel)(*tuple(_d.values())))

</pallas_src>

<mosaic_0001>
#map = affine_map<(d0, d1) -> (0, 0, 0, 0)>
#map1 = affine_map<(d0, d1) -> (0, 0, 0)>
#map2 = affine_map<(d0, d1) -> (0, 0)>
module attributes {stable_mosaic.version = 14 : i64} {
  func.func @_sc_body(%arg0: i32, %arg1: i32, %arg2: memref<16x40x4x128xi32, #tpu.memory_space<hbm>>, %arg3: memref<16x40x4x128xi32, #tpu.memory_space<hbm>>, %arg4: memref<16x40x512xf32, #tpu.memory_space<hbm>>, %arg5: memref<2x10000x64xf32, #tpu.memory_space<hbm>>, %arg6: memref<10000x128xf32, #tpu.memory_space<hbm>>, %arg7: memref<3x4x128xi32, #tpu.memory_space<vmem>>, %arg8: memref<3x4x128xi32, #tpu.memory_space<vmem>>, %arg9: memref<3x512xf32, #tpu.memory_space<vmem>>, %arg10: memref<4x128x64xf32, #tpu.memory_space<vmem>>, %arg11: memref<10000x64xf32, #tpu.memory_space<vmem_shared>>, %arg12: memref<10000x64xf32, #tpu.memory_space<vmem_shared>>, %arg13: memref<!tpu.dma_semaphore, #tpu.memory_space<semaphore_mem>>, %arg14: memref<!tpu.dma_semaphore, #tpu.memory_space<semaphore_mem>>, %arg15: memref<!tpu.dma_semaphore, #tpu.memory_space<semaphore_mem>>) attributes {dimension_semantics = [#tpu.dimension_semantics<core_parallel>, #tpu.dimension_semantics<subcore_parallel>], iteration_bounds = array<i64: 2, 16>, scalar_prefetch = 0 : i64, scratch_operands = 9 : i64, tpu.core_type = #tpu.core_type<sc_vector_subcore>, window_params = [{transform_indices = #map}, {transform_indices = #map}, {transform_indices = #map1}, {transform_indices = #map1}, {transform_indices = #map2}]} {
    %mul3A = arith.constant 625 : i32
    %mul3A_0 = arith.muli %arg1, %mul3A : i32
    "tpu.region"() ({
      %run_scoped3A_349 = tpu.sem_alloc : memref<!tpu.dma_semaphore, #tpu.memory_space<semaphore_mem>>
      %dma_start3A_350 = arith.constant 0 : i32
      %dma_start3A_351 = tpu.memref_slice %arg11[%mul3A_0, %dma_start3A_350] : memref<10000x64xf32, #tpu.memory_space<vmem_shared>> -> memref<625x64xf32, #tpu.memory_space<vmem_shared>>
      %dma_start3A_352 = arith.constant 0 : i32
      %dma_start3A_353 = tpu.memref_slice %arg5[%arg0, %mul3A_0, %dma_start3A_352] : memref<2x10000x64xf32, #tpu.memory_space<hbm>> -> memref<1x625x64xf32, #tpu.memory_space<hbm>>
      %dma_start3A_354 = tpu.memref_squeeze %dma_start3A_353 : memref<1x625x64xf32, #tpu.memory_space<hbm>> -> memref<625x64xf32, #tpu.memory_space<hbm>>
      tpu.enqueue_dma source(%dma_start3A_354 : memref<625x64xf32, #tpu.memory_space<hbm>>) target(%dma_start3A_351 : memref<625x64xf32, #tpu.memory_space<vmem_shared>>) target_semaphore(%run_scoped3A_349 : memref<!tpu.dma_semaphore, #tpu.memory_space<semaphore_mem>>)
      %dma_wait3A_355 = arith.constant 0 : i32
      %dma_wait3A_356 = tpu.memref_slice %arg11[%mul3A_0, %dma_wait3A_355] : memref<10000x64xf32, #tpu.memory_space<vmem_shared>> -> memref<625x64xf32, #tpu.memory_space<vmem_shared>>
      %dma_wait3A_357 = arith.constant 0 : i32
      %dma_wait3A_358 = tpu.memref_slice %arg5[%arg0, %mul3A_0, %dma_wait3A_357] : memref<2x10000x64xf32, #tpu.memory_space<hbm>> -> memref<1x625x64xf32, #tpu.memory_space<hbm>>
      %dma_wait3A_359 = tpu.memref_squeeze %dma_wait3A_358 : memref<1x625x64xf32, #tpu.memory_space<hbm>> -> memref<625x64xf32, #tpu.memory_space<hbm>>
      tpu.wait_dma2 semaphore(%run_scoped3A_349 : memref<!tpu.dma_semaphore, #tpu.memory_space<semaphore_mem>>) src(%dma_wait3A_359 : memref<625x64xf32, #tpu.memory_space<hbm>>) dst(%dma_wait3A_356 : memref<625x64xf32, #tpu.memory_space<vmem_shared>>)
      tpu.yield
    }) : () -> ()
    %broadcast_in_dim3A = arith.constant 0.000000e+00 : f32
    %broadcast_in_dim3A_1 = vector.broadcast %broadcast_in_dim3A : f32 to vector<16xf32>
    %scan3A = arith.constant 0 : i32
    %scan3A_2 = arith.constant 0 : i32
    %scan3A_3 = arith.constant 128 : i32
    %scan3A_4 = arith.addi %scan3A_2, %scan3A_3 : i32
    %scan3A_5 = arith.constant 1 : i32
    %scan3A_6 = scf.for %scan3A_349 = %scan3A_2 to %scan3A_4 step %scan3A_5 iter_args(%scan3A_350 = %scan3A) -> (i32)  : i32 {
      %swap3A = arith.constant 0 : i32
      %swap3A_351 = arith.index_cast %swap3A : i32 to index
      %swap3A_352 = arith.index_cast %scan3A_349 : i32 to index
      %swap3A_353 = arith.constant 0 : index
      %swap3A_354 = tpu.vector_load %arg10[%swap3A_351, %swap3A_352, %swap3A_353] {strides = array<i32>} : memref<4x128x64xf32, #tpu.memory_space<vmem>>, vector<16xf32>,
      tpu.vector_store %arg10[%swap3A_351, %swap3A_352, %swap3A_353], %broadcast_in_dim3A_1 {strides = array<i32>} : memref<4x128x64xf32, #tpu.memory_space<vmem>>, vector<16xf32>,
      %swap3A_355 = arith.constant 0 : i32
      %swap3A_356 = arith.index_cast %swap3A_355 : i32 to index
      %swap3A_357 = arith.index_cast %scan3A_349 : i32 to index
      %swap3A_358 = arith.constant 16 : index
      %swap3A_359 = tpu.vector_load %arg10[%swap3A_356, %swap3A_357, %swap3A_358] {strides = array<i32>} : memref<4x128x64xf32, #tpu.memory_space<vmem>>, vector<16xf32>,
      tpu.vector_store %arg10[%swap3A_356, %swap3A_357, %swap3A_358], %broadcast_in_dim3A_1 {strides = array<i32>} : memref<4x128x64xf32, #tpu.memory_space<vmem>>, vector<16xf32>,
      %swap3A_360 = arith.constant 0 : i32
      %swap3A_361 = arith.index_cast %swap3A_360 : i32 to index
      %swap3A_362 = arith.index_cast %scan3A_349 : i32 to index
      %swap3A_363 = arith.constant 32 : index
      %swap3A_364 = tpu.vector_load %arg10[%swap3A_361, %swap3A_362, %swap3A_363] {strides = array<i32>} : memref<4x128x64xf32, #tpu.memory_space<vmem>>, vector<16xf32>,
      tpu.vector_store %arg10[%swap3A_361, %swap3A_362, %swap3A_363], %broadcast_in_dim3A_1 {strides = array<i32>} : memref<4x128x64xf32, #tpu.memory_space<vmem>>, vector<16xf32>,
      %swap3A_365 = arith.constant 0 : i32
      %swap3A_366 = arith.index_cast %swap3A_365 : i32 to index
      %swap3A_367 = arith.index_cast %scan3A_349 : i32 to index
      %swap3A_368 = arith.constant 48 : index
      %swap3A_369 = tpu.vector_load %arg10[%swap3A_366, %swap3A_367, %swap3A_368] {strides = array<i32>} : memref<4x128x64xf32, #tpu.memory_space<vmem>>, vector<16xf32>,
      tpu.vector_store %arg10[%swap3A_366, %swap3A_367, %swap3A_368], %broadcast_in_dim3A_1 {strides = array<i32>} : memref<4x128x64xf32, #tpu.memory_space<vmem>>, vector<16xf32>,
      %scan3A_370 = arith.constant 0 : i32
      scf.yield %scan3A_370 : i32
    }
    %scan3A_7 = arith.constant 128 : i32
    %add3A = arith.constant 0 : i32
    %add3A_8 = arith.addi %mul3A_0, %add3A : i32
    %run_scoped3A = arith.constant 0 : i32
    "tpu.region"() ({
      %run_scoped3A_349 = tpu.sem_alloc : memref<!tpu.dma_semaphore, #tpu.memory_space<semaphore_mem>>
      %dma_start3A_350 = arith.constant 0 : i32
      %dma_start3A_351 = arith.constant 0 : i32
      %dma_start3A_352 = tpu.memref_slice %arg10[%run_scoped3A, %dma_start3A_350, %dma_start3A_351] : memref<4x128x64xf32, #tpu.memory_space<vmem>> -> memref<1x125x64xf32, #tpu.memory_space<vmem>>
      %dma_start3A_353 = tpu.memref_squeeze %dma_start3A_352 : memref<1x125x64xf32, #tpu.memory_space<vmem>> -> memref<125x64xf32, #tpu.memory_space<vmem>>
      %dma_start3A_354 = arith.constant 0 : i32
      %dma_start3A_355 = tpu.memref_slice %arg12[%add3A_8, %dma_start3A_354] : memref<10000x64xf32, #tpu.memory_space<vmem_shared>> -> memref<125x64xf32, #tpu.memory_space<vmem_shared>>
      %dma_start3A_356 = arith.constant 0 : i32
      %dma_start3A_357 = tpu.memref_slice %arg12[%add3A_8, %dma_start3A_356] : memref<10000x64xf32, #tpu.memory_space<vmem_shared>> -> memref<125x64xf32, #tpu.memory_space<vmem_shared>>
      %dma_start3A_358 = arith.constant 0 : i32
      %dma_start3A_359 = arith.constant 0 : i32
      %dma_start3A_360 = tpu.memref_slice %arg10[%run_scoped3A, %dma_start3A_358, %dma_start3A_359] : memref<4x128x64xf32, #tpu.memory_space<vmem>> -> memref<1x125x64xf32, #tpu.memory_space<vmem>>
      %dma_start3A_361 = tpu.memref_squeeze %dma_start3A_360 : memref<1x125x64xf32, #tpu.memory_space<vmem>> -> memref<125x64xf32, #tpu.memory_space<vmem>>
      tpu.enqueue_dma source(%dma_start3A_361 : memref<125x64xf32, #tpu.memory_space<vmem>>) target(%dma_start3A_357 : memref<125x64xf32, #tpu.memory_space<vmem_shared>>) target_semaphore(%run_scoped3A_349 : memref<!tpu.dma_semaphore, #tpu.memory_space<semaphore_mem>>)
      %dma_wait3A_362 = arith.constant 0 : i32
      %dma_wait3A_363 = arith.constant 0 : i32
      %dma_wait3A_364 = tpu.memref_slice %arg10[%run_scoped3A, %dma_wait3A_362, %dma_wait3A_363] : memref<4x128x64xf32, #tpu.memory_space<vmem>> -> memref<1x125x64xf32, #tpu.memory_space<vmem>>
      %dma_wait3A_365 = tpu.memref_squeeze %dma_wait3A_364 : memref<1x125x64xf32, #tpu.memory_space<vmem>> -> memref<125x64xf32, #tpu.memory_space<vmem>>
      %dma_wait3A_366 = arith.constant 0 : i32
      %dma_wait3A_367 = tpu.memref_slice %arg12[%add3A_8, %dma_wait3A_366] : memref<10000x64xf32, #tpu.memory_space<vmem_shared>> -> memref<125x64xf32, #tpu.memory_space<vmem_shared>>
      %dma_wait3A_368 = arith.constant 0 : i32
      %dma_wait3A_369 = tpu.memref_slice %arg12[%add3A_8, %dma_wait3A_368] : memref<10000x64xf32, #tpu.memory_space<vmem_shared>> -> memref<125x64xf32, #tpu.memory_space<vmem_shared>>
      %dma_wait3A_370 = arith.constant 0 : i32
      %dma_wait3A_371 = arith.constant 0 : i32
      %dma_wait3A_372 = tpu.memref_slice %arg10[%run_scoped3A, %dma_wait3A_370, %dma_wait3A_371] : memref<4x128x64xf32, #tpu.memory_space<vmem>> -> memref<1x125x64xf32, #tpu.memory_space<vmem>>
      %dma_wait3A_373 = tpu.memref_squeeze %dma_wait3A_372 : memref<1x125x64xf32, #tpu.memory_space<vmem>> -> memref<125x64xf32, #tpu.memory_space<vmem>>
      tpu.wait_dma2 semaphore(%run_scoped3A_349 : memref<!tpu.dma_semaphore, #tpu.memory_space<semaphore_mem>>) src(%dma_wait3A_373 : memref<125x64xf32, #tpu.memory_space<vmem>>) dst(%dma_wait3A_369 : memref<125x64xf32, #tpu.memory_space<vmem_shared>>)
      tpu.yield
    }) : () -> ()
    %add3A_9 = arith.constant 125 : i32
    %add3A_10 = arith.addi %mul3A_0, %add3A_9 : i32
    %run_scoped3A_11 = arith.constant 0 : i32
    "tpu.region"() ({
      %run_scoped3A_349 = tpu.sem_alloc : memref<!tpu.dma_semaphore, #tpu.memory_space<semaphore_mem>>
      %dma_start3A_350 = arith.constant 0 : i32
      %dma_start3A_351 = arith.constant 0 : i32
      %dma_start3A_352 = tpu.memref_slice %arg10[%run_scoped3A_11, %dma_start3A_350, %dma_start3A_351] : memref<4x128x64xf32, #tpu.memory_space<vmem>> -> memref<1x125x64xf32, #tpu.memory_space<vmem>>
      %dma_start3A_353 = tpu.memref_squeeze %dma_start3A_352 : memref<1x125x64xf32, #tpu.memory_space<vmem>> -> memref<125x64xf32, #tpu.memory_space<vmem>>
      %dma_start3A_354 = arith.constant 0 : i32
      %dma_start3A_355 = tpu.memref_slice %arg12[%add3A_10, %dma_start3A_354] : memref<10000x64xf32, #tpu.memory_space<vmem_shared>> -> memref<125x64xf32, #tpu.memory_space<vmem_shared>>
      %dma_start3A_356 = arith.constant 0 : i32
      %dma_start3A_357 = tpu.memref_slice %arg12[%add3A_10, %dma_start3A_356] : memref<10000x64xf32, #tpu.memory_space<vmem_shared>> -> memref<125x64xf32, #tpu.memory_space<vmem_shared>>
      %dma_start3A_358 = arith.constant 0 : i32
      %dma_start3A_359 = arith.constant 0 : i32
      %dma_start3A_360 = tpu.memref_slice %arg10[%run_scoped3A_11, %dma_start3A_358, %dma_start3A_359] : memref<4x128x64xf32, #tpu.memory_space<vmem>> -> memref<1x125x64xf32, #tpu.memory_space<vmem>>
      %dma_start3A_361 = tpu.memref_squeeze %dma_start3A_360 : memref<1x125x64xf32, #tpu.memory_space<vmem>> -> memref<125x64xf32, #tpu.memory_space<vmem>>
      tpu.enqueue_dma source(%dma_start3A_361 : memref<125x64xf32, #tpu.memory_space<vmem>>) target(%dma_start3A_357 : memref<125x64xf32, #tpu.memory_space<vmem_shared>>) target_semaphore(%run_scoped3A_349 : memref<!tpu.dma_semaphore, #tpu.memory_space<semaphore_mem>>)
      %dma_wait3A_362 = arith.constant 0 : i32
      %dma_wait3A_363 = arith.constant 0 : i32
      %dma_wait3A_364 = tpu.memref_slice %arg10[%run_scoped3A_11, %dma_wait3A_362, %dma_wait3A_363] : memref<4x128x64xf32, #tpu.memory_space<vmem>> -> memref<1x125x64xf32, #tpu.memory_space<vmem>>
      %dma_wait3A_365 = tpu.memref_squeeze %dma_wait3A_364 : memref<1x125x64xf32, #tpu.memory_space<vmem>> -> memref<125x64xf32, #tpu.memory_space<vmem>>
      %dma_wait3A_366 = arith.constant 0 : i32
      %dma_wait3A_367 = tpu.memref_slice %arg12[%add3A_10, %dma_wait3A_366] : memref<10000x64xf32, #tpu.memory_space<vmem_shared>> -> memref<125x64xf32, #tpu.memory_space<vmem_shared>>
      %dma_wait3A_368 = arith.constant 0 : i32
      %dma_wait3A_369 = tpu.memref_slice %arg12[%add3A_10, %dma_wait3A_368] : memref<10000x64xf32, #tpu.memory_space<vmem_shared>> -> memref<125x64xf32, #tpu.memory_space<vmem_shared>>
      %dma_wait3A_370 = arith.constant 0 : i32
      %dma_wait3A_371 = arith.constant 0 : i32
      %dma_wait3A_372 = tpu.memref_slice %arg10[%run_scoped3A_11, %dma_wait3A_370, %dma_wait3A_371] : memref<4x128x64xf32, #tpu.memory_space<vmem>> -> memref<1x125x64xf32, #tpu.memory_space<vmem>>
      %dma_wait3A_373 = tpu.memref_squeeze %dma_wait3A_372 : memref<1x125x64xf32, #tpu.memory_space<vmem>> -> memref<125x64xf32, #tpu.memory_space<vmem>>
      tpu.wait_dma2 semaphore(%run_scoped3A_349 : memref<!tpu.dma_semaphore, #tpu.memory_space<semaphore_mem>>) src(%dma_wait3A_373 : memref<125x64xf32, #tpu.memory_space<vmem>>) dst(%dma_wait3A_369 : memref<125x64xf32, #tpu.memory_space<vmem_shared>>)
      tpu.yield
    }) : () -> ()
    %add3A_12 = arith.constant 250 : i32
    %add3A_13 = arith.addi %mul3A_0, %add3A_12 : i32
    %run_scoped3A_14 = arith.constant 0 : i32
    "tpu.region"() ({
      %run_scoped3A_349 = tpu.sem_alloc : memref<!tpu.dma_semaphore, #tpu.memory_space<semaphore_mem>>
      %dma_start3A_350 = arith.constant 0 : i32
      %dma_start3A_351 = arith.constant 0 : i32
      %dma_start3A_352 = tpu.memref_slice %arg10[%run_scoped3A_14, %dma_start3A_350, %dma_start3A_351] : memref<4x128x64xf32, #tpu.memory_space<vmem>> -> memref<1x125x64xf32, #tpu.memory_space<vmem>>
      %dma_start3A_353 = tpu.memref_squeeze %dma_start3A_352 : memref<1x125x64xf32, #tpu.memory_space<vmem>> -> memref<125x64xf32, #tpu.memory_space<vmem>>
      %dma_start3A_354 = arith.constant 0 : i32
      %dma_start3A_355 = tpu.memref_slice %arg12[%add3A_13, %dma_start3A_354] : memref<10000x64xf32, #tpu.memory_space<vmem_shared>> -> memref<125x64xf32, #tpu.memory_space<vmem_shared>>
      %dma_start3A_356 = arith.constant 0 : i32
      %dma_start3A_357 = tpu.memref_slice %arg12[%add3A_13, %dma_start3A_356] : memref<10000x64xf32, #tpu.memory_space<vmem_shared>> -> memref<125x64xf32, #tpu.memory_space<vmem_shared>>
      %dma_start3A_358 = arith.constant 0 : i32
      %dma_start3A_359 = arith.constant 0 : i32
      %dma_start3A_360 = tpu.memref_slice %arg10[%run_scoped3A_14, %dma_start3A_358, %dma_start3A_359] : memref<4x128x64xf32, #tpu.memory_space<vmem>> -> memref<1x125x64xf32, #tpu.memory_space<vmem>>
      %dma_start3A_361 = tpu.memref_squeeze %dma_start3A_360 : memref<1x125x64xf32, #tpu.memory_space<vmem>> -> memref<125x64xf32, #tpu.memory_space<vmem>>
      tpu.enqueue_dma source(%dma_start3A_361 : memref<125x64xf32, #tpu.memory_space<vmem>>) target(%dma_start3A_357 : memref<125x64xf32, #tpu.memory_space<vmem_shared>>) target_semaphore(%run_scoped3A_349 : memref<!tpu.dma_semaphore, #tpu.memory_space<semaphore_mem>>)
      %dma_wait3A_362 = arith.constant 0 : i32
      %dma_wait3A_363 = arith.constant 0 : i32
      %dma_wait3A_364 = tpu.memref_slice %arg10[%run_scoped3A_14, %dma_wait3A_362, %dma_wait3A_363] : memref<4x128x64xf32, #tpu.memory_space<vmem>> -> memref<1x125x64xf32, #tpu.memory_space<vmem>>
      %dma_wait3A_365 = tpu.memref_squeeze %dma_wait3A_364 : memref<1x125x64xf32, #tpu.memory_space<vmem>> -> memref<125x64xf32, #tpu.memory_space<vmem>>
      %dma_wait3A_366 = arith.constant 0 : i32
      %dma_wait3A_367 = tpu.memref_slice %arg12[%add3A_13, %dma_wait3A_366] : memref<10000x64xf32, #tpu.memory_space<vmem_shared>> -> memref<125x64xf32, #tpu.memory_space<vmem_shared>>
      %dma_wait3A_368 = arith.constant 0 : i32
      %dma_wait3A_369 = tpu.memref_slice %arg12[%add3A_13, %dma_wait3A_368] : memref<10000x64xf32, #tpu.memory_space<vmem_shared>> -> memref<125x64xf32, #tpu.memory_space<vmem_shared>>
      %dma_wait3A_370 = arith.constant 0 : i32
      %dma_wait3A_371 = arith.constant 0 : i32
      %dma_wait3A_372 = tpu.memref_slice %arg10[%run_scoped3A_14, %dma_wait3A_370, %dma_wait3A_371] : memref<4x128x64xf32, #tpu.memory_space<vmem>> -> memref<1x125x64xf32, #tpu.memory_space<vmem>>
      %dma_wait3A_373 = tpu.memref_squeeze %dma_wait3A_372 : memref<1x125x64xf32, #tpu.memory_space<vmem>> -> memref<125x64xf32, #tpu.memory_space<vmem>>
      tpu.wait_dma2 semaphore(%run_scoped3A_349 : memref<!tpu.dma_semaphore, #tpu.memory_space<semaphore_mem>>) src(%dma_wait3A_373 : memref<125x64xf32, #tpu.memory_space<vmem>>) dst(%dma_wait3A_369 : memref<125x64xf32, #tpu.memory_space<vmem_shared>>)
      tpu.yield
    }) : () -> ()
    %add3A_15 = arith.constant 375 : i32
    %add3A_16 = arith.addi %mul3A_0, %add3A_15 : i32
    %run_scoped3A_17 = arith.constant 0 : i32
    "tpu.region"() ({
      %run_scoped3A_349 = tpu.sem_alloc : memref<!tpu.dma_semaphore, #tpu.memory_space<semaphore_mem>>
      %dma_start3A_350 = arith.constant 0 : i32
      %dma_start3A_351 = arith.constant 0 : i32
      %dma_start3A_352 = tpu.memref_slice %arg10[%run_scoped3A_17, %dma_start3A_350, %dma_start3A_351] : memref<4x128x64xf32, #tpu.memory_space<vmem>> -> memref<1x125x64xf32, #tpu.memory_space<vmem>>
      %dma_start3A_353 = tpu.memref_squeeze %dma_start3A_352 : memref<1x125x64xf32, #tpu.memory_space<vmem>> -> memref<125x64xf32, #tpu.memory_space<vmem>>
      %dma_start3A_354 = arith.constant 0 : i32
      %dma_start3A_355 = tpu.memref_slice %arg12[%add3A_16, %dma_start3A_354] : memref<10000x64xf32, #tpu.memory_space<vmem_shared>> -> memref<125x64xf32, #tpu.memory_space<vmem_shared>>
      %dma_start3A_356 = arith.constant 0 : i32
      %dma_start3A_357 = tpu.memref_slice %arg12[%add3A_16, %dma_start3A_356] : memref<10000x64xf32, #tpu.memory_space<vmem_shared>> -> memref<125x64xf32, #tpu.memory_space<vmem_shared>>
      %dma_start3A_358 = arith.constant 0 : i32
      %dma_start3A_359 = arith.constant 0 : i32
      %dma_start3A_360 = tpu.memref_slice %arg10[%run_scoped3A_17, %dma_start3A_358, %dma_start3A_359] : memref<4x128x64xf32, #tpu.memory_space<vmem>> -> memref<1x125x64xf32, #tpu.memory_space<vmem>>
      %dma_start3A_361 = tpu.memref_squeeze %dma_start3A_360 : memref<1x125x64xf32, #tpu.memory_space<vmem>> -> memref<125x64xf32, #tpu.memory_space<vmem>>
      tpu.enqueue_dma source(%dma_start3A_361 : memref<125x64xf32, #tpu.memory_space<vmem>>) target(%dma_start3A_357 : memref<125x64xf32, #tpu.memory_space<vmem_shared>>) target_semaphore(%run_scoped3A_349 : memref<!tpu.dma_semaphore, #tpu.memory_space<semaphore_mem>>)
      %dma_wait3A_362 = arith.constant 0 : i32
      %dma_wait3A_363 = arith.constant 0 : i32
      %dma_wait3A_364 = tpu.memref_slice %arg10[%run_scoped3A_17, %dma_wait3A_362, %dma_wait3A_363] : memref<4x128x64xf32, #tpu.memory_space<vmem>> -> memref<1x125x64xf32, #tpu.memory_space<vmem>>
      %dma_wait3A_365 = tpu.memref_squeeze %dma_wait3A_364 : memref<1x125x64xf32, #tpu.memory_space<vmem>> -> memref<125x64xf32, #tpu.memory_space<vmem>>
      %dma_wait3A_366 = arith.constant 0 : i32
      %dma_wait3A_367 = tpu.memref_slice %arg12[%add3A_16, %dma_wait3A_366] : memref<10000x64xf32, #tpu.memory_space<vmem_shared>> -> memref<125x64xf32, #tpu.memory_space<vmem_shared>>
      %dma_wait3A_368 = arith.constant 0 : i32
      %dma_wait3A_369 = tpu.memref_slice %arg12[%add3A_16, %dma_wait3A_368] : memref<10000x64xf32, #tpu.memory_space<vmem_shared>> -> memref<125x64xf32, #tpu.memory_space<vmem_shared>>
      %dma_wait3A_370 = arith.constant 0 : i32
      %dma_wait3A_371 = arith.constant 0 : i32
      %dma_wait3A_372 = tpu.memref_slice %arg10[%run_scoped3A_17, %dma_wait3A_370, %dma_wait3A_371] : memref<4x128x64xf32, #tpu.memory_space<vmem>> -> memref<1x125x64xf32, #tpu.memory_space<vmem>>
      %dma_wait3A_373 = tpu.memref_squeeze %dma_wait3A_372 : memref<1x125x64xf32, #tpu.memory_space<vmem>> -> memref<125x64xf32, #tpu.memory_space<vmem>>
      tpu.wait_dma2 semaphore(%run_scoped3A_349 : memref<!tpu.dma_semaphore, #tpu.memory_space<semaphore_mem>>) src(%dma_wait3A_373 : memref<125x64xf32, #tpu.memory_space<vmem>>) dst(%dma_wait3A_369 : memref<125x64xf32, #tpu.memory_space<vmem_shared>>)
      tpu.yield
    }) : () -> ()
    %add3A_18 = arith.constant 500 : i32
    %add3A_19 = arith.addi %mul3A_0, %add3A_18 : i32
    %run_scoped3A_20 = arith.constant 0 : i32
    "tpu.region"() ({
      %run_scoped3A_349 = tpu.sem_alloc : memref<!tpu.dma_semaphore, #tpu.memory_space<semaphore_mem>>
      %dma_start3A_350 = arith.constant 0 : i32
      %dma_start3A_351 = arith.constant 0 : i32
      %dma_start3A_352 = tpu.memref_slice %arg10[%run_scoped3A_20, %dma_start3A_350, %dma_start3A_351] : memref<4x128x64xf32, #tpu.memory_space<vmem>> -> memref<1x125x64xf32, #tpu.memory_space<vmem>>
      %dma_start3A_353 = tpu.memref_squeeze %dma_start3A_352 : memref<1x125x64xf32, #tpu.memory_space<vmem>> -> memref<125x64xf32, #tpu.memory_space<vmem>>
      %dma_start3A_354 = arith.constant 0 : i32
      %dma_start3A_355 = tpu.memref_slice %arg12[%add3A_19, %dma_start3A_354] : memref<10000x64xf32, #tpu.memory_space<vmem_shared>> -> memref<125x64xf32, #tpu.memory_space<vmem_shared>>
      %dma_start3A_356 = arith.constant 0 : i32
      %dma_start3A_357 = tpu.memref_slice %arg12[%add3A_19, %dma_start3A_356] : memref<10000x64xf32, #tpu.memory_space<vmem_shared>> -> memref<125x64xf32, #tpu.memory_space<vmem_shared>>
      %dma_start3A_358 = arith.constant 0 : i32
      %dma_start3A_359 = arith.constant 0 : i32
      %dma_start3A_360 = tpu.memref_slice %arg10[%run_scoped3A_20, %dma_start3A_358, %dma_start3A_359] : memref<4x128x64xf32, #tpu.memory_space<vmem>> -> memref<1x125x64xf32, #tpu.memory_space<vmem>>
      %dma_start3A_361 = tpu.memref_squeeze %dma_start3A_360 : memref<1x125x64xf32, #tpu.memory_space<vmem>> -> memref<125x64xf32, #tpu.memory_space<vmem>>
      tpu.enqueue_dma source(%dma_start3A_361 : memref<125x64xf32, #tpu.memory_space<vmem>>) target(%dma_start3A_357 : memref<125x64xf32, #tpu.memory_space<vmem_shared>>) target_semaphore(%run_scoped3A_349 : memref<!tpu.dma_semaphore, #tpu.memory_space<semaphore_mem>>)
      %dma_wait3A_362 = arith.constant 0 : i32
      %dma_wait3A_363 = arith.constant 0 : i32
      %dma_wait3A_364 = tpu.memref_slice %arg10[%run_scoped3A_20, %dma_wait3A_362, %dma_wait3A_363] : memref<4x128x64xf32, #tpu.memory_space<vmem>> -> memref<1x125x64xf32, #tpu.memory_space<vmem>>
      %dma_wait3A_365 = tpu.memref_squeeze %dma_wait3A_364 : memref<1x125x64xf32, #tpu.memory_space<vmem>> -> memref<125x64xf32, #tpu.memory_space<vmem>>
      %dma_wait3A_366 = arith.constant 0 : i32
      %dma_wait3A_367 = tpu.memref_slice %arg12[%add3A_19, %dma_wait3A_366] : memref<10000x64xf32, #tpu.memory_space<vmem_shared>> -> memref<125x64xf32, #tpu.memory_space<vmem_shared>>
      %dma_wait3A_368 = arith.constant 0 : i32
      %dma_wait3A_369 = tpu.memref_slice %arg12[%add3A_19, %dma_wait3A_368] : memref<10000x64xf32, #tpu.memory_space<vmem_shared>> -> memref<125x64xf32, #tpu.memory_space<vmem_shared>>
      %dma_wait3A_370 = arith.constant 0 : i32
      %dma_wait3A_371 = arith.constant 0 : i32
      %dma_wait3A_372 = tpu.memref_slice %arg10[%run_scoped3A_20, %dma_wait3A_370, %dma_wait3A_371] : memref<4x128x64xf32, #tpu.memory_space<vmem>> -> memref<1x125x64xf32, #tpu.memory_space<vmem>>
      %dma_wait3A_373 = tpu.memref_squeeze %dma_wait3A_372 : memref<1x125x64xf32, #tpu.memory_space<vmem>> -> memref<125x64xf32, #tpu.memory_space<vmem>>
      tpu.wait_dma2 semaphore(%run_scoped3A_349 : memref<!tpu.dma_semaphore, #tpu.memory_space<semaphore_mem>>) src(%dma_wait3A_373 : memref<125x64xf32, #tpu.memory_space<vmem>>) dst(%dma_wait3A_369 : memref<125x64xf32, #tpu.memory_space<vmem_shared>>)
      tpu.yield
    }) : () -> ()
    %barrier3A = arith.constant 0 : index
    tpu.barrier barrier_id(%barrier3A)
    %dma_start3A = arith.constant 0 : i32
    %dma_start3A_21 = arith.constant 0 : i32
    %dma_start3A_22 = arith.constant 0 : i32
    %dma_start3A_23 = arith.constant 0 : i32
    %dma_start3A_24 = tpu.memref_slice %arg7[%dma_start3A_21, %dma_start3A_22, %dma_start3A_23] : memref<3x4x128xi32, #tpu.memory_space<vmem>> -> memref<1x4x128xi32, #tpu.memory_space<vmem>>
    %dma_start3A_25 = tpu.memref_squeeze %dma_start3A_24 : memref<1x4x128xi32, #tpu.memory_space<vmem>> -> memref<4x128xi32, #tpu.memory_space<vmem>>
    %dma_start3A_26 = arith.constant 0 : i32
    %dma_start3A_27 = arith.constant 0 : i32
    %dma_start3A_28 = tpu.memref_slice %arg2[%arg1, %dma_start3A, %dma_start3A_26, %dma_start3A_27] : memref<16x40x4x128xi32, #tpu.memory_space<hbm>> -> memref<1x1x4x128xi32, #tpu.memory_space<hbm>>
    %dma_start3A_29 = tpu.memref_squeeze %dma_start3A_28 : memref<1x1x4x128xi32, #tpu.memory_space<hbm>> -> memref<4x128xi32, #tpu.memory_space<hbm>>
    %dma_start3A_30 = arith.constant 0 : i32
    %dma_start3A_31 = arith.constant 0 : i32
    %dma_start3A_32 = tpu.memref_slice %arg7[%dma_start3A_21, %dma_start3A_30, %dma_start3A_31] : memref<3x4x128xi32, #tpu.memory_space<vmem>> -> memref<1x4x128xi32, #tpu.memory_space<vmem>>
    %dma_start3A_33 = tpu.memref_squeeze %dma_start3A_32 : memref<1x4x128xi32, #tpu.memory_space<vmem>> -> memref<4x128xi32, #tpu.memory_space<vmem>>
    %dma_start3A_34 = arith.constant 0 : i32
    %dma_start3A_35 = arith.constant 0 : i32
    %dma_start3A_36 = tpu.memref_slice %arg2[%arg1, %dma_start3A, %dma_start3A_34, %dma_start3A_35] : memref<16x40x4x128xi32, #tpu.memory_space<hbm>> -> memref<1x1x4x128xi32, #tpu.memory_space<hbm>>
    %dma_start3A_37 = tpu.memref_squeeze %dma_start3A_36 : memref<1x1x4x128xi32, #tpu.memory_space<hbm>> -> memref<4x128xi32, #tpu.memory_space<hbm>>
    tpu.enqueue_dma source(%dma_start3A_37 : memref<4x128xi32, #tpu.memory_space<hbm>>) target(%dma_start3A_33 : memref<4x128xi32, #tpu.memory_space<vmem>>) target_semaphore(%arg15 : memref<!tpu.dma_semaphore, #tpu.memory_space<semaphore_mem>>)
    %dma_start3A_38 = arith.constant 0 : i32
    %dma_start3A_39 = arith.constant 0 : i32
    %dma_start3A_40 = arith.constant 0 : i32
    %dma_start3A_41 = arith.constant 0 : i32
    %dma_start3A_42 = tpu.memref_slice %arg8[%dma_start3A_39, %dma_start3A_40, %dma_start3A_41] : memref<3x4x128xi32, #tpu.memory_space<vmem>> -> memref<1x4x128xi32, #tpu.memory_space<vmem>>
    %dma_start3A_43 = tpu.memref_squeeze %dma_start3A_42 : memref<1x4x128xi32, #tpu.memory_space<vmem>> -> memref<4x128xi32, #tpu.memory_space<vmem>>
    %dma_start3A_44 = arith.constant 0 : i32
    %dma_start3A_45 = arith.constant 0 : i32
    %dma_start3A_46 = tpu.memref_slice %arg3[%arg1, %dma_start3A_38, %dma_start3A_44, %dma_start3A_45] : memref<16x40x4x128xi32, #tpu.memory_space<hbm>> -> memref<1x1x4x128xi32, #tpu.memory_space<hbm>>
    %dma_start3A_47 = tpu.memref_squeeze %dma_start3A_46 : memref<1x1x4x128xi32, #tpu.memory_space<hbm>> -> memref<4x128xi32, #tpu.memory_space<hbm>>
    %dma_start3A_48 = arith.constant 0 : i32
    %dma_start3A_49 = arith.constant 0 : i32
    %dma_start3A_50 = tpu.memref_slice %arg8[%dma_start3A_39, %dma_start3A_48, %dma_start3A_49] : memref<3x4x128xi32, #tpu.memory_space<vmem>> -> memref<1x4x128xi32, #tpu.memory_space<vmem>>
    %dma_start3A_51 = tpu.memref_squeeze %dma_start3A_50 : memref<1x4x128xi32, #tpu.memory_space<vmem>> -> memref<4x128xi32, #tpu.memory_space<vmem>>
    %dma_start3A_52 = arith.constant 0 : i32
    %dma_start3A_53 = arith.constant 0 : i32
    %dma_start3A_54 = tpu.memref_slice %arg3[%arg1, %dma_start3A_38, %dma_start3A_52, %dma_start3A_53] : memref<16x40x4x128xi32, #tpu.memory_space<hbm>> -> memref<1x1x4x128xi32, #tpu.memory_space<hbm>>
    %dma_start3A_55 = tpu.memref_squeeze %dma_start3A_54 : memref<1x1x4x128xi32, #tpu.memory_space<hbm>> -> memref<4x128xi32, #tpu.memory_space<hbm>>
    tpu.enqueue_dma source(%dma_start3A_55 : memref<4x128xi32, #tpu.memory_space<hbm>>) target(%dma_start3A_51 : memref<4x128xi32, #tpu.memory_space<vmem>>) target_semaphore(%arg15 : memref<!tpu.dma_semaphore, #tpu.memory_space<semaphore_mem>>)
    %dma_start3A_56 = arith.constant 0 : i32
    %dma_start3A_57 = arith.constant 0 : i32
    %dma_start3A_58 = arith.constant 0 : i32
    %dma_start3A_59 = tpu.memref_slice %arg9[%dma_start3A_57, %dma_start3A_58] : memref<3x512xf32, #tpu.memory_space<vmem>> -> memref<1x512xf32, #tpu.memory_space<vmem>>
    %dma_start3A_60 = tpu.memref_squeeze %dma_start3A_59 : memref<1x512xf32, #tpu.memory_space<vmem>> -> memref<512xf32, #tpu.memory_space<vmem>>
    %dma_start3A_61 = arith.constant 0 : i32
    %dma_start3A_62 = tpu.memref_slice %arg4[%arg1, %dma_start3A_56, %dma_start3A_61] : memref<16x40x512xf32, #tpu.memory_space<hbm>> -> memref<1x1x512xf32, #tpu.memory_space<hbm>>
    %dma_start3A_63 = tpu.memref_squeeze %dma_start3A_62 : memref<1x1x512xf32, #tpu.memory_space<hbm>> -> memref<512xf32, #tpu.memory_space<hbm>>
    %dma_start3A_64 = arith.constant 0 : i32
    %dma_start3A_65 = tpu.memref_slice %arg9[%dma_start3A_57, %dma_start3A_64] : memref<3x512xf32, #tpu.memory_space<vmem>> -> memref<1x512xf32, #tpu.memory_space<vmem>>
    %dma_start3A_66 = tpu.memref_squeeze %dma_start3A_65 : memref<1x512xf32, #tpu.memory_space<vmem>> -> memref<512xf32, #tpu.memory_space<vmem>>
    %dma_start3A_67 = arith.constant 0 : i32
    %dma_start3A_68 = tpu.memref_slice %arg4[%arg1, %dma_start3A_56, %dma_start3A_67] : memref<16x40x512xf32, #tpu.memory_space<hbm>> -> memref<1x1x512xf32, #tpu.memory_space<hbm>>
    %dma_start3A_69 = tpu.memref_squeeze %dma_start3A_68 : memref<1x1x512xf32, #tpu.memory_space<hbm>> -> memref<512xf32, #tpu.memory_space<hbm>>
    tpu.enqueue_dma source(%dma_start3A_69 : memref<512xf32, #tpu.memory_space<hbm>>) target(%dma_start3A_66 : memref<512xf32, #tpu.memory_space<vmem>>) target_semaphore(%arg15 : memref<!tpu.dma_semaphore, #tpu.memory_space<semaphore_mem>>)
    %dma_start3A_70 = arith.constant 1 : i32
    %dma_start3A_71 = arith.constant 1 : i32
    %dma_start3A_72 = arith.constant 0 : i32
    %dma_start3A_73 = arith.constant 0 : i32
    %dma_start3A_74 = tpu.memref_slice %arg7[%dma_start3A_71, %dma_start3A_72, %dma_start3A_73] : memref<3x4x128xi32, #tpu.memory_space<vmem>> -> memref<1x4x128xi32, #tpu.memory_space<vmem>>
    %dma_start3A_75 = tpu.memref_squeeze %dma_start3A_74 : memref<1x4x128xi32, #tpu.memory_space<vmem>> -> memref<4x128xi32, #tpu.memory_space<vmem>>
    %dma_start3A_76 = arith.constant 0 : i32
    %dma_start3A_77 = arith.constant 0 : i32
    %dma_start3A_78 = tpu.memref_slice %arg2[%arg1, %dma_start3A_70, %dma_start3A_76, %dma_start3A_77] : memref<16x40x4x128xi32, #tpu.memory_space<hbm>> -> memref<1x1x4x128xi32, #tpu.memory_space<hbm>>
    %dma_start3A_79 = tpu.memref_squeeze %dma_start3A_78 : memref<1x1x4x128xi32, #tpu.memory_space<hbm>> -> memref<4x128xi32, #tpu.memory_space<hbm>>
    %dma_start3A_80 = arith.constant 0 : i32
    %dma_start3A_81 = arith.constant 0 : i32
    %dma_start3A_82 = tpu.memref_slice %arg7[%dma_start3A_71, %dma_start3A_80, %dma_start3A_81] : memref<3x4x128xi32, #tpu.memory_space<vmem>> -> memref<1x4x128xi32, #tpu.memory_space<vmem>>
    %dma_start3A_83 = tpu.memref_squeeze %dma_start3A_82 : memref<1x4x128xi32, #tpu.memory_space<vmem>> -> memref<4x128xi32, #tpu.memory_space<vmem>>
    %dma_start3A_84 = arith.constant 0 : i32
    %dma_start3A_85 = arith.constant 0 : i32
    %dma_start3A_86 = tpu.memref_slice %arg2[%arg1, %dma_start3A_70, %dma_start3A_84, %dma_start3A_85] : memref<16x40x4x128xi32, #tpu.memory_space<hbm>> -> memref<1x1x4x128xi32, #tpu.memory_space<hbm>>
    %dma_start3A_87 = tpu.memref_squeeze %dma_start3A_86 : memref<1x1x4x128xi32, #tpu.memory_space<hbm>> -> memref<4x128xi32, #tpu.memory_space<hbm>>
    tpu.enqueue_dma source(%dma_start3A_87 : memref<4x128xi32, #tpu.memory_space<hbm>>) target(%dma_start3A_83 : memref<4x128xi32, #tpu.memory_space<vmem>>) target_semaphore(%arg15 : memref<!tpu.dma_semaphore, #tpu.memory_space<semaphore_mem>>)
    %dma_start3A_88 = arith.constant 1 : i32
    %dma_start3A_89 = arith.constant 1 : i32
    %dma_start3A_90 = arith.constant 0 : i32
    %dma_start3A_91 = arith.constant 0 : i32
    %dma_start3A_92 = tpu.memref_slice %arg8[%dma_start3A_89, %dma_start3A_90, %dma_start3A_91] : memref<3x4x128xi32, #tpu.memory_space<vmem>> -> memref<1x4x128xi32, #tpu.memory_space<vmem>>
    %dma_start3A_93 = tpu.memref_squeeze %dma_start3A_92 : memref<1x4x128xi32, #tpu.memory_space<vmem>> -> memref<4x128xi32, #tpu.memory_space<vmem>>
    %dma_start3A_94 = arith.constant 0 : i32
    %dma_start3A_95 = arith.constant 0 : i32
    %dma_start3A_96 = tpu.memref_slice %arg3[%arg1, %dma_start3A_88, %dma_start3A_94, %dma_start3A_95] : memref<16x40x4x128xi32, #tpu.memory_space<hbm>> -> memref<1x1x4x128xi32, #tpu.memory_space<hbm>>
    %dma_start3A_97 = tpu.memref_squeeze %dma_start3A_96 : memref<1x1x4x128xi32, #tpu.memory_space<hbm>> -> memref<4x128xi32, #tpu.memory_space<hbm>>
    %dma_start3A_98 = arith.constant 0 : i32
    %dma_start3A_99 = arith.constant 0 : i32
    %dma_start3A_100 = tpu.memref_slice %arg8[%dma_start3A_89, %dma_start3A_98, %dma_start3A_99] : memref<3x4x128xi32, #tpu.memory_space<vmem>> -> memref<1x4x128xi32, #tpu.memory_space<vmem>>
    %dma_start3A_101 = tpu.memref_squeeze %dma_start3A_100 : memref<1x4x128xi32, #tpu.memory_space<vmem>> -> memref<4x128xi32, #tpu.memory_space<vmem>>
    %dma_start3A_102 = arith.constant 0 : i32
    %dma_start3A_103 = arith.constant 0 : i32
    %dma_start3A_104 = tpu.memref_slice %arg3[%arg1, %dma_start3A_88, %dma_start3A_102, %dma_start3A_103] : memref<16x40x4x128xi32, #tpu.memory_space<hbm>> -> memref<1x1x4x128xi32, #tpu.memory_space<hbm>>
    %dma_start3A_105 = tpu.memref_squeeze %dma_start3A_104 : memref<1x1x4x128xi32, #tpu.memory_space<hbm>> -> memref<4x128xi32, #tpu.memory_space<hbm>>
    tpu.enqueue_dma source(%dma_start3A_105 : memref<4x128xi32, #tpu.memory_space<hbm>>) target(%dma_start3A_101 : memref<4x128xi32, #tpu.memory_space<vmem>>) target_semaphore(%arg15 : memref<!tpu.dma_semaphore, #tpu.memory_space<semaphore_mem>>)
    %dma_start3A_106 = arith.constant 1 : i32
    %dma_start3A_107 = arith.constant 1 : i32
    %dma_start3A_108 = arith.constant 0 : i32
    %dma_start3A_109 = tpu.memref_slice %arg9[%dma_start3A_107, %dma_start3A_108] : memref<3x512xf32, #tpu.memory_space<vmem>> -> memref<1x512xf32, #tpu.memory_space<vmem>>
    %dma_start3A_110 = tpu.memref_squeeze %dma_start3A_109 : memref<1x512xf32, #tpu.memory_space<vmem>> -> memref<512xf32, #tpu.memory_space<vmem>>
    %dma_start3A_111 = arith.constant 0 : i32
    %dma_start3A_112 = tpu.memref_slice %arg4[%arg1, %dma_start3A_106, %dma_start3A_111] : memref<16x40x512xf32, #tpu.memory_space<hbm>> -> memref<1x1x512xf32, #tpu.memory_space<hbm>>
    %dma_start3A_113 = tpu.memref_squeeze %dma_start3A_112 : memref<1x1x512xf32, #tpu.memory_space<hbm>> -> memref<512xf32, #tpu.memory_space<hbm>>
    %dma_start3A_114 = arith.constant 0 : i32
    %dma_start3A_115 = tpu.memref_slice %arg9[%dma_start3A_107, %dma_start3A_114] : memref<3x512xf32, #tpu.memory_space<vmem>> -> memref<1x512xf32, #tpu.memory_space<vmem>>
    %dma_start3A_116 = tpu.memref_squeeze %dma_start3A_115 : memref<1x512xf32, #tpu.memory_space<vmem>> -> memref<512xf32, #tpu.memory_space<vmem>>
    %dma_start3A_117 = arith.constant 0 : i32
    %dma_start3A_118 = tpu.memref_slice %arg4[%arg1, %dma_start3A_106, %dma_start3A_117] : memref<16x40x512xf32, #tpu.memory_space<hbm>> -> memref<1x1x512xf32, #tpu.memory_space<hbm>>
    %dma_start3A_119 = tpu.memref_squeeze %dma_start3A_118 : memref<1x1x512xf32, #tpu.memory_space<hbm>> -> memref<512xf32, #tpu.memory_space<hbm>>
    tpu.enqueue_dma source(%dma_start3A_119 : memref<512xf32, #tpu.memory_space<hbm>>) target(%dma_start3A_116 : memref<512xf32, #tpu.memory_space<vmem>>) target_semaphore(%arg15 : memref<!tpu.dma_semaphore, #tpu.memory_space<semaphore_mem>>)
    %dma_wait3A = arith.constant 0 : i32
    %dma_wait3A_120 = arith.constant 0 : i32
    %dma_wait3A_121 = arith.constant 0 : i32
    %dma_wait3A_122 = arith.constant 0 : i32
    %dma_wait3A_123 = tpu.memref_slice %arg7[%dma_wait3A_120, %dma_wait3A_121, %dma_wait3A_122] : memref<3x4x128xi32, #tpu.memory_space<vmem>> -> memref<1x4x128xi32, #tpu.memory_space<vmem>>
    %dma_wait3A_124 = tpu.memref_squeeze %dma_wait3A_123 : memref<1x4x128xi32, #tpu.memory_space<vmem>> -> memref<4x128xi32, #tpu.memory_space<vmem>>
    %dma_wait3A_125 = arith.constant 0 : i32
    %dma_wait3A_126 = arith.constant 0 : i32
    %dma_wait3A_127 = tpu.memref_slice %arg2[%arg1, %dma_wait3A, %dma_wait3A_125, %dma_wait3A_126] : memref<16x40x4x128xi32, #tpu.memory_space<hbm>> -> memref<1x1x4x128xi32, #tpu.memory_space<hbm>>
    %dma_wait3A_128 = tpu.memref_squeeze %dma_wait3A_127 : memref<1x1x4x128xi32, #tpu.memory_space<hbm>> -> memref<4x128xi32, #tpu.memory_space<hbm>>
    %dma_wait3A_129 = arith.constant 0 : i32
    %dma_wait3A_130 = arith.constant 0 : i32
    %dma_wait3A_131 = tpu.memref_slice %arg7[%dma_wait3A_120, %dma_wait3A_129, %dma_wait3A_130] : memref<3x4x128xi32, #tpu.memory_space<vmem>> -> memref<1x4x128xi32, #tpu.memory_space<vmem>>
    %dma_wait3A_132 = tpu.memref_squeeze %dma_wait3A_131 : memref<1x4x128xi32, #tpu.memory_space<vmem>> -> memref<4x128xi32, #tpu.memory_space<vmem>>
    %dma_wait3A_133 = arith.constant 0 : i32
    %dma_wait3A_134 = arith.constant 0 : i32
    %dma_wait3A_135 = tpu.memref_slice %arg2[%arg1, %dma_wait3A, %dma_wait3A_133, %dma_wait3A_134] : memref<16x40x4x128xi32, #tpu.memory_space<hbm>> -> memref<1x1x4x128xi32, #tpu.memory_space<hbm>>
    %dma_wait3A_136 = tpu.memref_squeeze %dma_wait3A_135 : memref<1x1x4x128xi32, #tpu.memory_space<hbm>> -> memref<4x128xi32, #tpu.memory_space<hbm>>
    tpu.wait_dma2 semaphore(%arg15 : memref<!tpu.dma_semaphore, #tpu.memory_space<semaphore_mem>>) src(%dma_wait3A_136 : memref<4x128xi32, #tpu.memory_space<hbm>>) dst(%dma_wait3A_132 : memref<4x128xi32, #tpu.memory_space<vmem>>)
    %dma_wait3A_137 = arith.constant 0 : i32
    %dma_wait3A_138 = arith.constant 0 : i32
    %dma_wait3A_139 = arith.constant 0 : i32
    %dma_wait3A_140 = arith.constant 0 : i32
    %dma_wait3A_141 = tpu.memref_slice %arg8[%dma_wait3A_138, %dma_wait3A_139, %dma_wait3A_140] : memref<3x4x128xi32, #tpu.memory_space<vmem>> -> memref<1x4x128xi32, #tpu.memory_space<vmem>>
    %dma_wait3A_142 = tpu.memref_squeeze %dma_wait3A_141 : memref<1x4x128xi32, #tpu.memory_space<vmem>> -> memref<4x128xi32, #tpu.memory_space<vmem>>
    %dma_wait3A_143 = arith.constant 0 : i32
    %dma_wait3A_144 = arith.constant 0 : i32
    %dma_wait3A_145 = tpu.memref_slice %arg3[%arg1, %dma_wait3A_137, %dma_wait3A_143, %dma_wait3A_144] : memref<16x40x4x128xi32, #tpu.memory_space<hbm>> -> memref<1x1x4x128xi32, #tpu.memory_space<hbm>>
    %dma_wait3A_146 = tpu.memref_squeeze %dma_wait3A_145 : memref<1x1x4x128xi32, #tpu.memory_space<hbm>> -> memref<4x128xi32, #tpu.memory_space<hbm>>
    %dma_wait3A_147 = arith.constant 0 : i32
    %dma_wait3A_148 = arith.constant 0 : i32
    %dma_wait3A_149 = tpu.memref_slice %arg8[%dma_wait3A_138, %dma_wait3A_147, %dma_wait3A_148] : memref<3x4x128xi32, #tpu.memory_space<vmem>> -> memref<1x4x128xi32, #tpu.memory_space<vmem>>
    %dma_wait3A_150 = tpu.memref_squeeze %dma_wait3A_149 : memref<1x4x128xi32, #tpu.memory_space<vmem>> -> memref<4x128xi32, #tpu.memory_space<vmem>>
    %dma_wait3A_151 = arith.constant 0 : i32
    %dma_wait3A_152 = arith.constant 0 : i32
    %dma_wait3A_153 = tpu.memref_slice %arg3[%arg1, %dma_wait3A_137, %dma_wait3A_151, %dma_wait3A_152] : memref<16x40x4x128xi32, #tpu.memory_space<hbm>> -> memref<1x1x4x128xi32, #tpu.memory_space<hbm>>
    %dma_wait3A_154 = tpu.memref_squeeze %dma_wait3A_153 : memref<1x1x4x128xi32, #tpu.memory_space<hbm>> -> memref<4x128xi32, #tpu.memory_space<hbm>>
    tpu.wait_dma2 semaphore(%arg15 : memref<!tpu.dma_semaphore, #tpu.memory_space<semaphore_mem>>) src(%dma_wait3A_154 : memref<4x128xi32, #tpu.memory_space<hbm>>) dst(%dma_wait3A_150 : memref<4x128xi32, #tpu.memory_space<vmem>>)
    %dma_wait3A_155 = arith.constant 0 : i32
    %dma_wait3A_156 = arith.constant 0 : i32
    %dma_wait3A_157 = arith.constant 0 : i32
    %dma_wait3A_158 = tpu.memref_slice %arg9[%dma_wait3A_156, %dma_wait3A_157] : memref<3x512xf32, #tpu.memory_space<vmem>> -> memref<1x512xf32, #tpu.memory_space<vmem>>
    %dma_wait3A_159 = tpu.memref_squeeze %dma_wait3A_158 : memref<1x512xf32, #tpu.memory_space<vmem>> -> memref<512xf32, #tpu.memory_space<vmem>>
    %dma_wait3A_160 = arith.constant 0 : i32
    %dma_wait3A_161 = tpu.memref_slice %arg4[%arg1, %dma_wait3A_155, %dma_wait3A_160] : memref<16x40x512xf32, #tpu.memory_space<hbm>> -> memref<1x1x512xf32, #tpu.memory_space<hbm>>
    %dma_wait3A_162 = tpu.memref_squeeze %dma_wait3A_161 : memref<1x1x512xf32, #tpu.memory_space<hbm>> -> memref<512xf32, #tpu.memory_space<hbm>>
    %dma_wait3A_163 = arith.constant 0 : i32
    %dma_wait3A_164 = tpu.memref_slice %arg9[%dma_wait3A_156, %dma_wait3A_163] : memref<3x512xf32, #tpu.memory_space<vmem>> -> memref<1x512xf32, #tpu.memory_space<vmem>>
    %dma_wait3A_165 = tpu.memref_squeeze %dma_wait3A_164 : memref<1x512xf32, #tpu.memory_space<vmem>> -> memref<512xf32, #tpu.memory_space<vmem>>
    %dma_wait3A_166 = arith.constant 0 : i32
    %dma_wait3A_167 = tpu.memref_slice %arg4[%arg1, %dma_wait3A_155, %dma_wait3A_166] : memref<16x40x512xf32, #tpu.memory_space<hbm>> -> memref<1x1x512xf32, #tpu.memory_space<hbm>>
    %dma_wait3A_168 = tpu.memref_squeeze %dma_wait3A_167 : memref<1x1x512xf32, #tpu.memory_space<hbm>> -> memref<512xf32, #tpu.memory_space<hbm>>
    tpu.wait_dma2 semaphore(%arg15 : memref<!tpu.dma_semaphore, #tpu.memory_space<semaphore_mem>>) src(%dma_wait3A_168 : memref<512xf32, #tpu.memory_space<hbm>>) dst(%dma_wait3A_165 : memref<512xf32, #tpu.memory_space<vmem>>)
    %dma_wait3A_169 = arith.constant 1 : i32
    %dma_wait3A_170 = arith.constant 1 : i32
    %dma_wait3A_171 = arith.constant 0 : i32
    %dma_wait3A_172 = arith.constant 0 : i32
    %dma_wait3A_173 = tpu.memref_slice %arg7[%dma_wait3A_170, %dma_wait3A_171, %dma_wait3A_172] : memref<3x4x128xi32, #tpu.memory_space<vmem>> -> memref<1x4x128xi32, #tpu.memory_space<vmem>>
    %dma_wait3A_174 = tpu.memref_squeeze %dma_wait3A_173 : memref<1x4x128xi32, #tpu.memory_space<vmem>> -> memref<4x128xi32, #tpu.memory_space<vmem>>
    %dma_wait3A_175 = arith.constant 0 : i32
    %dma_wait3A_176 = arith.constant 0 : i32
    %dma_wait3A_177 = tpu.memref_slice %arg2[%arg1, %dma_wait3A_169, %dma_wait3A_175, %dma_wait3A_176] : memref<16x40x4x128xi32, #tpu.memory_space<hbm>> -> memref<1x1x4x128xi32, #tpu.memory_space<hbm>>
    %dma_wait3A_178 = tpu.memref_squeeze %dma_wait3A_177 : memref<1x1x4x128xi32, #tpu.memory_space<hbm>> -> memref<4x128xi32, #tpu.memory_space<hbm>>
    %dma_wait3A_179 = arith.constant 0 : i32
    %dma_wait3A_180 = arith.constant 0 : i32
    %dma_wait3A_181 = tpu.memref_slice %arg7[%dma_wait3A_170, %dma_wait3A_179, %dma_wait3A_180] : memref<3x4x128xi32, #tpu.memory_space<vmem>> -> memref<1x4x128xi32, #tpu.memory_space<vmem>>
    %dma_wait3A_182 = tpu.memref_squeeze %dma_wait3A_181 : memref<1x4x128xi32, #tpu.memory_space<vmem>> -> memref<4x128xi32, #tpu.memory_space<vmem>>
    %dma_wait3A_183 = arith.constant 0 : i32
    %dma_wait3A_184 = arith.constant 0 : i32
    %dma_wait3A_185 = tpu.memref_slice %arg2[%arg1, %dma_wait3A_169, %dma_wait3A_183, %dma_wait3A_184] : memref<16x40x4x128xi32, #tpu.memory_space<hbm>> -> memref<1x1x4x128xi32, #tpu.memory_space<hbm>>
    %dma_wait3A_186 = tpu.memref_squeeze %dma_wait3A_185 : memref<1x1x4x128xi32, #tpu.memory_space<hbm>> -> memref<4x128xi32, #tpu.memory_space<hbm>>
    tpu.wait_dma2 semaphore(%arg15 : memref<!tpu.dma_semaphore, #tpu.memory_space<semaphore_mem>>) src(%dma_wait3A_186 : memref<4x128xi32, #tpu.memory_space<hbm>>) dst(%dma_wait3A_182 : memref<4x128xi32, #tpu.memory_space<vmem>>)
    %dma_wait3A_187 = arith.constant 1 : i32
    %dma_wait3A_188 = arith.constant 1 : i32
    %dma_wait3A_189 = arith.constant 0 : i32
    %dma_wait3A_190 = arith.constant 0 : i32
    %dma_wait3A_191 = tpu.memref_slice %arg8[%dma_wait3A_188, %dma_wait3A_189, %dma_wait3A_190] : memref<3x4x128xi32, #tpu.memory_space<vmem>> -> memref<1x4x128xi32, #tpu.memory_space<vmem>>
    %dma_wait3A_192 = tpu.memref_squeeze %dma_wait3A_191 : memref<1x4x128xi32, #tpu.memory_space<vmem>> -> memref<4x128xi32, #tpu.memory_space<vmem>>
    %dma_wait3A_193 = arith.constant 0 : i32
    %dma_wait3A_194 = arith.constant 0 : i32
    %dma_wait3A_195 = tpu.memref_slice %arg3[%arg1, %dma_wait3A_187, %dma_wait3A_193, %dma_wait3A_194] : memref<16x40x4x128xi32, #tpu.memory_space<hbm>> -> memref<1x1x4x128xi32, #tpu.memory_space<hbm>>
    %dma_wait3A_196 = tpu.memref_squeeze %dma_wait3A_195 : memref<1x1x4x128xi32, #tpu.memory_space<hbm>> -> memref<4x128xi32, #tpu.memory_space<hbm>>
    %dma_wait3A_197 = arith.constant 0 : i32
    %dma_wait3A_198 = arith.constant 0 : i32
    %dma_wait3A_199 = tpu.memref_slice %arg8[%dma_wait3A_188, %dma_wait3A_197, %dma_wait3A_198] : memref<3x4x128xi32, #tpu.memory_space<vmem>> -> memref<1x4x128xi32, #tpu.memory_space<vmem>>
    %dma_wait3A_200 = tpu.memref_squeeze %dma_wait3A_199 : memref<1x4x128xi32, #tpu.memory_space<vmem>> -> memref<4x128xi32, #tpu.memory_space<vmem>>
    %dma_wait3A_201 = arith.constant 0 : i32
    %dma_wait3A_202 = arith.constant 0 : i32
    %dma_wait3A_203 = tpu.memref_slice %arg3[%arg1, %dma_wait3A_187, %dma_wait3A_201, %dma_wait3A_202] : memref<16x40x4x128xi32, #tpu.memory_space<hbm>> -> memref<1x1x4x128xi32, #tpu.memory_space<hbm>>
    %dma_wait3A_204 = tpu.memref_squeeze %dma_wait3A_203 : memref<1x1x4x128xi32, #tpu.memory_space<hbm>> -> memref<4x128xi32, #tpu.memory_space<hbm>>
    tpu.wait_dma2 semaphore(%arg15 : memref<!tpu.dma_semaphore, #tpu.memory_space<semaphore_mem>>) src(%dma_wait3A_204 : memref<4x128xi32, #tpu.memory_space<hbm>>) dst(%dma_wait3A_200 : memref<4x128xi32, #tpu.memory_space<vmem>>)
    %dma_wait3A_205 = arith.constant 1 : i32
    %dma_wait3A_206 = arith.constant 1 : i32
    %dma_wait3A_207 = arith.constant 0 : i32
    %dma_wait3A_208 = tpu.memref_slice %arg9[%dma_wait3A_206, %dma_wait3A_207] : memref<3x512xf32, #tpu.memory_space<vmem>> -> memref<1x512xf32, #tpu.memory_space<vmem>>
    %dma_wait3A_209 = tpu.memref_squeeze %dma_wait3A_208 : memref<1x512xf32, #tpu.memory_space<vmem>> -> memref<512xf32, #tpu.memory_space<vmem>>
    %dma_wait3A_210 = arith.constant 0 : i32
    %dma_wait3A_211 = tpu.memref_slice %arg4[%arg1, %dma_wait3A_205, %dma_wait3A_210] : memref<16x40x512xf32, #tpu.memory_space<hbm>> -> memref<1x1x512xf32, #tpu.memory_space<hbm>>
    %dma_wait3A_212 = tpu.memref_squeeze %dma_wait3A_211 : memref<1x1x512xf32, #tpu.memory_space<hbm>> -> memref<512xf32, #tpu.memory_space<hbm>>
    %dma_wait3A_213 = arith.constant 0 : i32
    %dma_wait3A_214 = tpu.memref_slice %arg9[%dma_wait3A_206, %dma_wait3A_213] : memref<3x512xf32, #tpu.memory_space<vmem>> -> memref<1x512xf32, #tpu.memory_space<vmem>>
    %dma_wait3A_215 = tpu.memref_squeeze %dma_wait3A_214 : memref<1x512xf32, #tpu.memory_space<vmem>> -> memref<512xf32, #tpu.memory_space<vmem>>
    %dma_wait3A_216 = arith.constant 0 : i32
    %dma_wait3A_217 = tpu.memref_slice %arg4[%arg1, %dma_wait3A_205, %dma_wait3A_216] : memref<16x40x512xf32, #tpu.memory_space<hbm>> -> memref<1x1x512xf32, #tpu.memory_space<hbm>>
    %dma_wait3A_218 = tpu.memref_squeeze %dma_wait3A_217 : memref<1x1x512xf32, #tpu.memory_space<hbm>> -> memref<512xf32, #tpu.memory_space<hbm>>
    tpu.wait_dma2 semaphore(%arg15 : memref<!tpu.dma_semaphore, #tpu.memory_space<semaphore_mem>>) src(%dma_wait3A_218 : memref<512xf32, #tpu.memory_space<hbm>>) dst(%dma_wait3A_215 : memref<512xf32, #tpu.memory_space<vmem>>)
    %dma_start3A_219 = arith.constant 2 : i32
    %dma_start3A_220 = arith.constant 2 : i32
    %dma_start3A_221 = arith.constant 0 : i32
    %dma_start3A_222 = arith.constant 0 : i32
    %dma_start3A_223 = tpu.memref_slice %arg7[%dma_start3A_220, %dma_start3A_221, %dma_start3A_222] : memref<3x4x128xi32, #tpu.memory_space<vmem>> -> memref<1x4x128xi32, #tpu.memory_space<vmem>>
    %dma_start3A_224 = tpu.memref_squeeze %dma_start3A_223 : memref<1x4x128xi32, #tpu.memory_space<vmem>> -> memref<4x128xi32, #tpu.memory_space<vmem>>
    %dma_start3A_225 = arith.constant 0 : i32
    %dma_start3A_226 = arith.constant 0 : i32
    %dma_start3A_227 = tpu.memref_slice %arg2[%arg1, %dma_start3A_219, %dma_start3A_225, %dma_start3A_226] : memref<16x40x4x128xi32, #tpu.memory_space<hbm>> -> memref<1x1x4x128xi32, #tpu.memory_space<hbm>>
    %dma_start3A_228 = tpu.memref_squeeze %dma_start3A_227 : memref<1x1x4x128xi32, #tpu.memory_space<hbm>> -> memref<4x128xi32, #tpu.memory_space<hbm>>
    %dma_start3A_229 = arith.constant 0 : i32
    %dma_start3A_230 = arith.constant 0 : i32
    %dma_start3A_231 = tpu.memref_slice %arg7[%dma_start3A_220, %dma_start3A_229, %dma_start3A_230] : memref<3x4x128xi32, #tpu.memory_space<vmem>> -> memref<1x4x128xi32, #tpu.memory_space<vmem>>
    %dma_start3A_232 = tpu.memref_squeeze %dma_start3A_231 : memref<1x4x128xi32, #tpu.memory_space<vmem>> -> memref<4x128xi32, #tpu.memory_space<vmem>>
    %dma_start3A_233 = arith.constant 0 : i32
    %dma_start3A_234 = arith.constant 0 : i32
    %dma_start3A_235 = tpu.memref_slice %arg2[%arg1, %dma_start3A_219, %dma_start3A_233, %dma_start3A_234] : memref<16x40x4x128xi32, #tpu.memory_space<hbm>> -> memref<1x1x4x128xi32, #tpu.memory_space<hbm>>
    %dma_start3A_236 = tpu.memref_squeeze %dma_start3A_235 : memref<1x1x4x128xi32, #tpu.memory_space<hbm>> -> memref<4x128xi32, #tpu.memory_space<hbm>>
    tpu.enqueue_dma source(%dma_start3A_236 : memref<4x128xi32, #tpu.memory_space<hbm>>) target(%dma_start3A_232 : memref<4x128xi32, #tpu.memory_space<vmem>>) target_semaphore(%arg15 : memref<!tpu.dma_semaphore, #tpu.memory_space<semaphore_mem>>)
    %dma_start3A_237 = arith.constant 2 : i32
    %dma_start3A_238 = arith.constant 2 : i32
    %dma_start3A_239 = arith.constant 0 : i32
    %dma_start3A_240 = arith.constant 0 : i32
    %dma_start3A_241 = tpu.memref_slice %arg8[%dma_start3A_238, %dma_start3A_239, %dma_start3A_240] : memref<3x4x128xi32, #tpu.memory_space<vmem>> -> memref<1x4x128xi32, #tpu.memory_space<vmem>>
    %dma_start3A_242 = tpu.memref_squeeze %dma_start3A_241 : memref<1x4x128xi32, #tpu.memory_space<vmem>> -> memref<4x128xi32, #tpu.memory_space<vmem>>
    %dma_start3A_243 = arith.constant 0 : i32
    %dma_start3A_244 = arith.constant 0 : i32
    %dma_start3A_245 = tpu.memref_slice %arg3[%arg1, %dma_start3A_237, %dma_start3A_243, %dma_start3A_244] : memref<16x40x4x128xi32, #tpu.memory_space<hbm>> -> memref<1x1x4x128xi32, #tpu.memory_space<hbm>>
    %dma_start3A_246 = tpu.memref_squeeze %dma_start3A_245 : memref<1x1x4x128xi32, #tpu.memory_space<hbm>> -> memref<4x128xi32, #tpu.memory_space<hbm>>
    %dma_start3A_247 = arith.constant 0 : i32
    %dma_start3A_248 = arith.constant 0 : i32
    %dma_start3A_249 = tpu.memref_slice %arg8[%dma_start3A_238, %dma_start3A_247, %dma_start3A_248] : memref<3x4x128xi32, #tpu.memory_space<vmem>> -> memref<1x4x128xi32, #tpu.memory_space<vmem>>
    %dma_start3A_250 = tpu.memref_squeeze %dma_start3A_249 : memref<1x4x128xi32, #tpu.memory_space<vmem>> -> memref<4x128xi32, #tpu.memory_space<vmem>>
    %dma_start3A_251 = arith.constant 0 : i32
    %dma_start3A_252 = arith.constant 0 : i32
    %dma_start3A_253 = tpu.memref_slice %arg3[%arg1, %dma_start3A_237, %dma_start3A_251, %dma_start3A_252] : memref<16x40x4x128xi32, #tpu.memory_space<hbm>> -> memref<1x1x4x128xi32, #tpu.memory_space<hbm>>
    %dma_start3A_254 = tpu.memref_squeeze %dma_start3A_253 : memref<1x1x4x128xi32, #tpu.memory_space<hbm>> -> memref<4x128xi32, #tpu.memory_space<hbm>>
    tpu.enqueue_dma source(%dma_start3A_254 : memref<4x128xi32, #tpu.memory_space<hbm>>) target(%dma_start3A_250 : memref<4x128xi32, #tpu.memory_space<vmem>>) target_semaphore(%arg15 : memref<!tpu.dma_semaphore, #tpu.memory_space<semaphore_mem>>)
    %dma_start3A_255 = arith.constant 2 : i32
    %dma_start3A_256 = arith.constant 2 : i32
    %dma_start3A_257 = arith.constant 0 : i32
    %dma_start3A_258 = tpu.memref_slice %arg9[%dma_start3A_256, %dma_start3A_257] : memref<3x512xf32, #tpu.memory_space<vmem>> -> memref<1x512xf32, #tpu.memory_space<vmem>>
    %dma_start3A_259 = tpu.memref_squeeze %dma_start3A_258 : memref<1x512xf32, #tpu.memory_space<vmem>> -> memref<512xf32, #tpu.memory_space<vmem>>
    %dma_start3A_260 = arith.constant 0 : i32
    %dma_start3A_261 = tpu.memref_slice %arg4[%arg1, %dma_start3A_255, %dma_start3A_260] : memref<16x40x512xf32, #tpu.memory_space<hbm>> -> memref<1x1x512xf32, #tpu.memory_space<hbm>>
    %dma_start3A_262 = tpu.memref_squeeze %dma_start3A_261 : memref<1x1x512xf32, #tpu.memory_space<hbm>> -> memref<512xf32, #tpu.memory_space<hbm>>
    %dma_start3A_263 = arith.constant 0 : i32
    %dma_start3A_264 = tpu.memref_slice %arg9[%dma_start3A_256, %dma_start3A_263] : memref<3x512xf32, #tpu.memory_space<vmem>> -> memref<1x512xf32, #tpu.memory_space<vmem>>
    %dma_start3A_265 = tpu.memref_squeeze %dma_start3A_264 : memref<1x512xf32, #tpu.memory_space<vmem>> -> memref<512xf32, #tpu.memory_space<vmem>>
    %dma_start3A_266 = arith.constant 0 : i32
    %dma_start3A_267 = tpu.memref_slice %arg4[%arg1, %dma_start3A_255, %dma_start3A_266] : memref<16x40x512xf32, #tpu.memory_space<hbm>> -> memref<1x1x512xf32, #tpu.memory_space<hbm>>
    %dma_start3A_268 = tpu.memref_squeeze %dma_start3A_267 : memref<1x1x512xf32, #tpu.memory_space<hbm>> -> memref<512xf32, #tpu.memory_space<hbm>>
    tpu.enqueue_dma source(%dma_start3A_268 : memref<512xf32, #tpu.memory_space<hbm>>) target(%dma_start3A_265 : memref<512xf32, #tpu.memory_space<vmem>>) target_semaphore(%arg15 : memref<!tpu.dma_semaphore, #tpu.memory_space<semaphore_mem>>)
    %dma_start3A_269 = arith.constant 0 : i32
    %dma_start3A_270 = arith.constant 0 : i32
    %dma_start3A_271 = arith.constant 0 : i32
    %dma_start3A_272 = arith.constant 0 : i32
    %dma_start3A_273 = arith.constant 0 : i32
    %dma_start3A_274 = tpu.memref_slice %arg10[%dma_start3A_271, %dma_start3A_272, %dma_start3A_273] : memref<4x128x64xf32, #tpu.memory_space<vmem>> -> memref<1x128x64xf32, #tpu.memory_space<vmem>>
    %dma_start3A_275 = tpu.memref_squeeze %dma_start3A_274 : memref<1x128x64xf32, #tpu.memory_space<vmem>> -> memref<128x64xf32, #tpu.memory_space<vmem>>
    %dma_start3A_276 = arith.constant 0 : i32
    %dma_start3A_277 = tpu.memref_slice %arg8[%dma_start3A_269, %dma_start3A_270, %dma_start3A_276] : memref<3x4x128xi32, #tpu.memory_space<vmem>> -> memref<1x1x128xi32, #tpu.memory_space<vmem>>
    %dma_start3A_278 = tpu.memref_squeeze %dma_start3A_277 : memref<1x1x128xi32, #tpu.memory_space<vmem>> -> memref<128xi32, #tpu.memory_space<vmem>>
    %dma_start3A_279 = arith.constant 0 : i32
    %dma_start3A_280 = arith.constant 0 : i32
    %dma_start3A_281 = tpu.memref_slice %arg11[%dma_start3A_279, %dma_start3A_280] : memref<10000x64xf32, #tpu.memory_space<vmem_shared>> -> memref<10000x64xf32, #tpu.memory_space<vmem_shared>>
    tpu.enqueue_indirect_dma source(%dma_start3A_281 : memref<10000x64xf32, #tpu.memory_space<vmem_shared>>) target(%dma_start3A_275 : memref<128x64xf32, #tpu.memory_space<vmem>>) offsets(%dma_start3A_278 : memref<128xi32, #tpu.memory_space<vmem>>) semaphore(%arg13 : memref<!tpu.dma_semaphore, #tpu.memory_space<semaphore_mem>>)
    %dma_start3A_282 = arith.constant 0 : i32
    %dma_start3A_283 = arith.constant 1 : i32
    %dma_start3A_284 = arith.constant 1 : i32
    %dma_start3A_285 = arith.constant 0 : i32
    %dma_start3A_286 = arith.constant 0 : i32
    %dma_start3A_287 = tpu.memref_slice %arg10[%dma_start3A_284, %dma_start3A_285, %dma_start3A_286] : memref<4x128x64xf32, #tpu.memory_space<vmem>> -> memref<1x128x64xf32, #tpu.memory_space<vmem>>
    %dma_start3A_288 = tpu.memref_squeeze %dma_start3A_287 : memref<1x128x64xf32, #tpu.memory_space<vmem>> -> memref<128x64xf32, #tpu.memory_space<vmem>>
    %dma_start3A_289 = arith.constant 0 : i32
    %dma_start3A_290 = tpu.memref_slice %arg8[%dma_start3A_282, %dma_start3A_283, %dma_start3A_289] : memref<3x4x128xi32, #tpu.memory_space<vmem>> -> memref<1x1x128xi32, #tpu.memory_space<vmem>>
    %dma_start3A_291 = tpu.memref_squeeze %dma_start3A_290 : memref<1x1x128xi32, #tpu.memory_space<vmem>> -> memref<128xi32, #tpu.memory_space<vmem>>
    %dma_start3A_292 = arith.constant 0 : i32
    %dma_start3A_293 = arith.constant 0 : i32
    %dma_start3A_294 = tpu.memref_slice %arg11[%dma_start3A_292, %dma_start3A_293] : memref<10000x64xf32, #tpu.memory_space<vmem_shared>> -> memref<10000x64xf32, #tpu.memory_space<vmem_shared>>
    tpu.enqueue_indirect_dma source(%dma_start3A_294 : memref<10000x64xf32, #tpu.memory_space<vmem_shared>>) target(%dma_start3A_288 : memref<128x64xf32, #tpu.memory_space<vmem>>) offsets(%dma_start3A_291 : memref<128xi32, #tpu.memory_space<vmem>>) semaphore(%arg13 : memref<!tpu.dma_semaphore, #tpu.memory_space<semaphore_mem>>)
    %scan3A_295 = arith.constant 0 : i32
    %scan3A_296 = arith.constant 0 : i32
    %scan3A_297 = arith.constant 40 : i32
    %scan3A_298 = arith.addi %scan3A_296, %scan3A_297 : i32
    %scan3A_299 = arith.constant 1 : i32
    %scan3A_300 = scf.for %scan3A_349 = %scan3A_296 to %scan3A_298 step %scan3A_299 iter_args(%scan3A_350 = %scan3A_295) -> (i32)  : i32 {
      %rem3A_351 = arith.constant 3 : i32
      %rem3A_352 = arith.remsi %scan3A_349, %rem3A_351 : i32
      %add3A_353 = arith.constant 1 : i32
      %add3A_354 = arith.addi %scan3A_349, %add3A_353 : i32
      %rem3A_355 = arith.constant 3 : i32
      %rem3A_356 = arith.remsi %add3A_354, %rem3A_355 : i32
      %add3A_357 = arith.constant 2 : i32
      %add3A_358 = arith.addi %scan3A_349, %add3A_357 : i32
      %rem3A_359 = arith.constant 3 : i32
      %rem3A_360 = arith.remsi %add3A_358, %rem3A_359 : i32
      %ge3A = arith.constant 1 : i32
      %ge3A_361 = arith.cmpi sge, %scan3A_349, %ge3A : i32
      %add3A_362 = arith.constant 1 : i32
      %add3A_363 = arith.addi %scan3A_349, %add3A_362 : i32
      %lt3A = arith.constant 40 : i32
      %lt3A_364 = arith.cmpi slt, %add3A_363, %lt3A : i32
      %and3A = arith.andi %ge3A_361, %lt3A_364 : i1
      %convert_element_type3A = arith.extui %and3A : i1 to i32
      %cond3A = arith.constant 0 : i32
      %cond3A_365 = arith.cmpi ne, %convert_element_type3A, %cond3A : i32
      scf.if %cond3A_365 {
        %add3A_576 = arith.constant 1 : i32
        %add3A_577 = arith.addi %scan3A_349, %add3A_576 : i32
        %dma_wait3A_578 = arith.constant 0 : i32
        %dma_wait3A_579 = arith.constant 0 : i32
        %dma_wait3A_580 = tpu.memref_slice %arg7[%rem3A_356, %dma_wait3A_578, %dma_wait3A_579] : memref<3x4x128xi32, #tpu.memory_space<vmem>> -> memref<1x4x128xi32, #tpu.memory_space<vmem>>
        %dma_wait3A_581 = tpu.memref_squeeze %dma_wait3A_580 : memref<1x4x128xi32, #tpu.memory_space<vmem>> -> memref<4x128xi32, #tpu.memory_space<vmem>>
        %dma_wait3A_582 = arith.constant 0 : i32
        %dma_wait3A_583 = arith.constant 0 : i32
        %dma_wait3A_584 = tpu.memref_slice %arg2[%arg1, %add3A_577, %dma_wait3A_582, %dma_wait3A_583] : memref<16x40x4x128xi32, #tpu.memory_space<hbm>> -> memref<1x1x4x128xi32, #tpu.memory_space<hbm>>
        %dma_wait3A_585 = tpu.memref_squeeze %dma_wait3A_584 : memref<1x1x4x128xi32, #tpu.memory_space<hbm>> -> memref<4x128xi32, #tpu.memory_space<hbm>>
        %dma_wait3A_586 = arith.constant 0 : i32
        %dma_wait3A_587 = arith.constant 0 : i32
        %dma_wait3A_588 = tpu.memref_slice %arg7[%rem3A_356, %dma_wait3A_586, %dma_wait3A_587] : memref<3x4x128xi32, #tpu.memory_space<vmem>> -> memref<1x4x128xi32, #tpu.memory_space<vmem>>
        %dma_wait3A_589 = tpu.memref_squeeze %dma_wait3A_588 : memref<1x4x128xi32, #tpu.memory_space<vmem>> -> memref<4x128xi32, #tpu.memory_space<vmem>>
        %dma_wait3A_590 = arith.constant 0 : i32
        %dma_wait3A_591 = arith.constant 0 : i32
        %dma_wait3A_592 = tpu.memref_slice %arg2[%arg1, %add3A_577, %dma_wait3A_590, %dma_wait3A_591] : memref<16x40x4x128xi32, #tpu.memory_space<hbm>> -> memref<1x1x4x128xi32, #tpu.memory_space<hbm>>
        %dma_wait3A_593 = tpu.memref_squeeze %dma_wait3A_592 : memref<1x1x4x128xi32, #tpu.memory_space<hbm>> -> memref<4x128xi32, #tpu.memory_space<hbm>>
        tpu.wait_dma2 semaphore(%arg15 : memref<!tpu.dma_semaphore, #tpu.memory_space<semaphore_mem>>) src(%dma_wait3A_593 : memref<4x128xi32, #tpu.memory_space<hbm>>) dst(%dma_wait3A_589 : memref<4x128xi32, #tpu.memory_space<vmem>>)
        %dma_wait3A_594 = arith.constant 0 : i32
        %dma_wait3A_595 = arith.constant 0 : i32
        %dma_wait3A_596 = tpu.memref_slice %arg8[%rem3A_356, %dma_wait3A_594, %dma_wait3A_595] : memref<3x4x128xi32, #tpu.memory_space<vmem>> -> memref<1x4x128xi32, #tpu.memory_space<vmem>>
        %dma_wait3A_597 = tpu.memref_squeeze %dma_wait3A_596 : memref<1x4x128xi32, #tpu.memory_space<vmem>> -> memref<4x128xi32, #tpu.memory_space<vmem>>
        %dma_wait3A_598 = arith.constant 0 : i32
        %dma_wait3A_599 = arith.constant 0 : i32
        %dma_wait3A_600 = tpu.memref_slice %arg3[%arg1, %add3A_577, %dma_wait3A_598, %dma_wait3A_599] : memref<16x40x4x128xi32, #tpu.memory_space<hbm>> -> memref<1x1x4x128xi32, #tpu.memory_space<hbm>>
        %dma_wait3A_601 = tpu.memref_squeeze %dma_wait3A_600 : memref<1x1x4x128xi32, #tpu.memory_space<hbm>> -> memref<4x128xi32, #tpu.memory_space<hbm>>
        %dma_wait3A_602 = arith.constant 0 : i32
        %dma_wait3A_603 = arith.constant 0 : i32
        %dma_wait3A_604 = tpu.memref_slice %arg8[%rem3A_356, %dma_wait3A_602, %dma_wait3A_603] : memref<3x4x128xi32, #tpu.memory_space<vmem>> -> memref<1x4x128xi32, #tpu.memory_space<vmem>>
        %dma_wait3A_605 = tpu.memref_squeeze %dma_wait3A_604 : memref<1x4x128xi32, #tpu.memory_space<vmem>> -> memref<4x128xi32, #tpu.memory_space<vmem>>
        %dma_wait3A_606 = arith.constant 0 : i32
        %dma_wait3A_607 = arith.constant 0 : i32
        %dma_wait3A_608 = tpu.memref_slice %arg3[%arg1, %add3A_577, %dma_wait3A_606, %dma_wait3A_607] : memref<16x40x4x128xi32, #tpu.memory_space<hbm>> -> memref<1x1x4x128xi32, #tpu.memory_space<hbm>>
        %dma_wait3A_609 = tpu.memref_squeeze %dma_wait3A_608 : memref<1x1x4x128xi32, #tpu.memory_space<hbm>> -> memref<4x128xi32, #tpu.memory_space<hbm>>
        tpu.wait_dma2 semaphore(%arg15 : memref<!tpu.dma_semaphore, #tpu.memory_space<semaphore_mem>>) src(%dma_wait3A_609 : memref<4x128xi32, #tpu.memory_space<hbm>>) dst(%dma_wait3A_605 : memref<4x128xi32, #tpu.memory_space<vmem>>)
        %dma_wait3A_610 = arith.constant 0 : i32
        %dma_wait3A_611 = tpu.memref_slice %arg9[%rem3A_356, %dma_wait3A_610] : memref<3x512xf32, #tpu.memory_space<vmem>> -> memref<1x512xf32, #tpu.memory_space<vmem>>
        %dma_wait3A_612 = tpu.memref_squeeze %dma_wait3A_611 : memref<1x512xf32, #tpu.memory_space<vmem>> -> memref<512xf32, #tpu.memory_space<vmem>>
        %dma_wait3A_613 = arith.constant 0 : i32
        %dma_wait3A_614 = tpu.memref_slice %arg4[%arg1, %add3A_577, %dma_wait3A_613] : memref<16x40x512xf32, #tpu.memory_space<hbm>> -> memref<1x1x512xf32, #tpu.memory_space<hbm>>
        %dma_wait3A_615 = tpu.memref_squeeze %dma_wait3A_614 : memref<1x1x512xf32, #tpu.memory_space<hbm>> -> memref<512xf32, #tpu.memory_space<hbm>>
        %dma_wait3A_616 = arith.constant 0 : i32
        %dma_wait3A_617 = tpu.memref_slice %arg9[%rem3A_356, %dma_wait3A_616] : memref<3x512xf32, #tpu.memory_space<vmem>> -> memref<1x512xf32, #tpu.memory_space<vmem>>
        %dma_wait3A_618 = tpu.memref_squeeze %dma_wait3A_617 : memref<1x512xf32, #tpu.memory_space<vmem>> -> memref<512xf32, #tpu.memory_space<vmem>>
        %dma_wait3A_619 = arith.constant 0 : i32
        %dma_wait3A_620 = tpu.memref_slice %arg4[%arg1, %add3A_577, %dma_wait3A_619] : memref<16x40x512xf32, #tpu.memory_space<hbm>> -> memref<1x1x512xf32, #tpu.memory_space<hbm>>
        %dma_wait3A_621 = tpu.memref_squeeze %dma_wait3A_620 : memref<1x1x512xf32, #tpu.memory_space<hbm>> -> memref<512xf32, #tpu.memory_space<hbm>>
        tpu.wait_dma2 semaphore(%arg15 : memref<!tpu.dma_semaphore, #tpu.memory_space<semaphore_mem>>) src(%dma_wait3A_621 : memref<512xf32, #tpu.memory_space<hbm>>) dst(%dma_wait3A_618 : memref<512xf32, #tpu.memory_space<vmem>>)
      } else {
      }
      %mul3A_366 = arith.constant 4 : i32
      %mul3A_367 = arith.muli %scan3A_349, %mul3A_366 : i32
      %add3A_368 = arith.constant 0 : i32
      %add3A_369 = arith.addi %mul3A_367, %add3A_368 : i32
      %dma_wait3A_370 = arith.constant 0 : i32
      %dma_wait3A_371 = arith.constant 0 : i32
      %dma_wait3A_372 = arith.constant 0 : i32
      %dma_wait3A_373 = arith.constant 0 : i32
      %dma_wait3A_374 = tpu.memref_slice %arg10[%dma_wait3A_371, %dma_wait3A_372, %dma_wait3A_373] : memref<4x128x64xf32, #tpu.memory_space<vmem>> -> memref<1x128x64xf32, #tpu.memory_space<vmem>>
      %dma_wait3A_375 = tpu.memref_squeeze %dma_wait3A_374 : memref<1x128x64xf32, #tpu.memory_space<vmem>> -> memref<128x64xf32, #tpu.memory_space<vmem>>
      %dma_wait3A_376 = arith.constant 0 : i32
      %dma_wait3A_377 = tpu.memref_slice %arg8[%rem3A_352, %dma_wait3A_370, %dma_wait3A_376] : memref<3x4x128xi32, #tpu.memory_space<vmem>> -> memref<1x1x128xi32, #tpu.memory_space<vmem>>
      %dma_wait3A_378 = tpu.memref_squeeze %dma_wait3A_377 : memref<1x1x128xi32, #tpu.memory_space<vmem>> -> memref<128xi32, #tpu.memory_space<vmem>>
      %dma_wait3A_379 = arith.constant 0 : i32
      %dma_wait3A_380 = arith.constant 0 : i32
      %dma_wait3A_381 = tpu.memref_slice %arg11[%dma_wait3A_379, %dma_wait3A_380] : memref<10000x64xf32, #tpu.memory_space<vmem_shared>> -> memref<10000x64xf32, #tpu.memory_space<vmem_shared>>
      tpu.wait_indirect_dma semaphore(%arg13 : memref<!tpu.dma_semaphore, #tpu.memory_space<semaphore_mem>>) src(%dma_wait3A_381 : memref<10000x64xf32, #tpu.memory_space<vmem_shared>>) dst(%dma_wait3A_375 : memref<128x64xf32, #tpu.memory_space<vmem>>)
      %scan3A_382 = arith.constant 0 : i32
      %scan3A_383 = arith.constant 0 : i32
      %scan3A_384 = arith.constant 128 : i32
      %scan3A_385 = arith.addi %scan3A_383, %scan3A_384 : i32
      %scan3A_386 = arith.constant 2 : i32
      %scan3A_387 = scf.for %scan3A_576 = %scan3A_383 to %scan3A_385 step %scan3A_386 iter_args(%scan3A_577 = %scan3A_382) -> (i32)  : i32 {
        %broadcast_in_dim3A_578 = vector.broadcast %rem3A_352 : i32 to vector<16xi32>
        %add3A_579 = arith.constant 0 : i32
        %add3A_580 = arith.addi %add3A_579, %scan3A_576 : i32
        %broadcast_in_dim3A_581 = vector.broadcast %add3A_580 : i32 to vector<16xi32>
        %gather3A = tpu.vector_load_idx %arg9[%broadcast_in_dim3A_578, %broadcast_in_dim3A_581] : memref<3x512xf32, #tpu.memory_space<vmem>>[vector<16xi32>, vector<16xi32>], vector<16xf32>,
        %get3A = arith.constant 0 : i32
        %get3A_582 = arith.index_cast %get3A : i32 to index
        %get3A_583 = arith.index_cast %scan3A_576 : i32 to index
        %get3A_584 = arith.constant 0 : index
        %get3A_585 = tpu.vector_load %arg10[%get3A_582, %get3A_583, %get3A_584] {strides = array<i32>} : memref<4x128x64xf32, #tpu.memory_space<vmem>>, vector<16xf32>,
        %mul3A_586 = arith.mulf %get3A_585, %gather3A : vector<16xf32>
        %swap3A = arith.constant 0 : i32
        %swap3A_587 = arith.index_cast %swap3A : i32 to index
        %swap3A_588 = arith.index_cast %scan3A_576 : i32 to index
        %swap3A_589 = arith.constant 0 : index
        %swap3A_590 = tpu.vector_load %arg10[%swap3A_587, %swap3A_588, %swap3A_589] {strides = array<i32>} : memref<4x128x64xf32, #tpu.memory_space<vmem>>, vector<16xf32>,
        tpu.vector_store %arg10[%swap3A_587, %swap3A_588, %swap3A_589], %mul3A_586 {strides = array<i32>} : memref<4x128x64xf32, #tpu.memory_space<vmem>>, vector<16xf32>,
        %get3A_591 = arith.constant 0 : i32
        %get3A_592 = arith.index_cast %get3A_591 : i32 to index
        %get3A_593 = arith.index_cast %scan3A_576 : i32 to index
        %get3A_594 = arith.constant 16 : index
        %get3A_595 = tpu.vector_load %arg10[%get3A_592, %get3A_593, %get3A_594] {strides = array<i32>} : memref<4x128x64xf32, #tpu.memory_space<vmem>>, vector<16xf32>,
        %mul3A_596 = arith.mulf %get3A_595, %gather3A : vector<16xf32>
        %swap3A_597 = arith.constant 0 : i32
        %swap3A_598 = arith.index_cast %swap3A_597 : i32 to index
        %swap3A_599 = arith.index_cast %scan3A_576 : i32 to index
        %swap3A_600 = arith.constant 16 : index
        %swap3A_601 = tpu.vector_load %arg10[%swap3A_598, %swap3A_599, %swap3A_600] {strides = array<i32>} : memref<4x128x64xf32, #tpu.memory_space<vmem>>, vector<16xf32>,
        tpu.vector_store %arg10[%swap3A_598, %swap3A_599, %swap3A_600], %mul3A_596 {strides = array<i32>} : memref<4x128x64xf32, #tpu.memory_space<vmem>>, vector<16xf32>,
        %get3A_602 = arith.constant 0 : i32
        %get3A_603 = arith.index_cast %get3A_602 : i32 to index
        %get3A_604 = arith.index_cast %scan3A_576 : i32 to index
        %get3A_605 = arith.constant 32 : index
        %get3A_606 = tpu.vector_load %arg10[%get3A_603, %get3A_604, %get3A_605] {strides = array<i32>} : memref<4x128x64xf32, #tpu.memory_space<vmem>>, vector<16xf32>,
        %mul3A_607 = arith.mulf %get3A_606, %gather3A : vector<16xf32>
        %swap3A_608 = arith.constant 0 : i32
        %swap3A_609 = arith.index_cast %swap3A_608 : i32 to index
        %swap3A_610 = arith.index_cast %scan3A_576 : i32 to index
        %swap3A_611 = arith.constant 32 : index
        %swap3A_612 = tpu.vector_load %arg10[%swap3A_609, %swap3A_610, %swap3A_611] {strides = array<i32>} : memref<4x128x64xf32, #tpu.memory_space<vmem>>, vector<16xf32>,
        tpu.vector_store %arg10[%swap3A_609, %swap3A_610, %swap3A_611], %mul3A_607 {strides = array<i32>} : memref<4x128x64xf32, #tpu.memory_space<vmem>>, vector<16xf32>,
        %get3A_613 = arith.constant 0 : i32
        %get3A_614 = arith.index_cast %get3A_613 : i32 to index
        %get3A_615 = arith.index_cast %scan3A_576 : i32 to index
        %get3A_616 = arith.constant 48 : index
        %get3A_617 = tpu.vector_load %arg10[%get3A_614, %get3A_615, %get3A_616] {strides = array<i32>} : memref<4x128x64xf32, #tpu.memory_space<vmem>>, vector<16xf32>,
        %mul3A_618 = arith.mulf %get3A_617, %gather3A : vector<16xf32>
        %swap3A_619 = arith.constant 0 : i32
        %swap3A_620 = arith.index_cast %swap3A_619 : i32 to index
        %swap3A_621 = arith.index_cast %scan3A_576 : i32 to index
        %swap3A_622 = arith.constant 48 : index
        %swap3A_623 = tpu.vector_load %arg10[%swap3A_620, %swap3A_621, %swap3A_622] {strides = array<i32>} : memref<4x128x64xf32, #tpu.memory_space<vmem>>, vector<16xf32>,
        tpu.vector_store %arg10[%swap3A_620, %swap3A_621, %swap3A_622], %mul3A_618 {strides = array<i32>} : memref<4x128x64xf32, #tpu.memory_space<vmem>>, vector<16xf32>,
        %scan3A_624 = arith.constant 0 : i32
        %scan3A_625 = arith.constant 1 : i32
        %scan3A_626 = arith.addi %scan3A_576, %scan3A_625 : i32
        %broadcast_in_dim3A_627 = vector.broadcast %rem3A_352 : i32 to vector<16xi32>
        %add3A_628 = arith.constant 0 : i32
        %add3A_629 = arith.addi %add3A_628, %scan3A_626 : i32
        %broadcast_in_dim3A_630 = vector.broadcast %add3A_629 : i32 to vector<16xi32>
        %gather3A_631 = tpu.vector_load_idx %arg9[%broadcast_in_dim3A_627, %broadcast_in_dim3A_630] : memref<3x512xf32, #tpu.memory_space<vmem>>[vector<16xi32>, vector<16xi32>], vector<16xf32>,
        %get3A_632 = arith.constant 0 : i32
        %get3A_633 = arith.index_cast %get3A_632 : i32 to index
        %get3A_634 = arith.index_cast %scan3A_626 : i32 to index
        %get3A_635 = arith.constant 0 : index
        %get3A_636 = tpu.vector_load %arg10[%get3A_633, %get3A_634, %get3A_635] {strides = array<i32>} : memref<4x128x64xf32, #tpu.memory_space<vmem>>, vector<16xf32>,
        %mul3A_637 = arith.mulf %get3A_636, %gather3A_631 : vector<16xf32>
        %swap3A_638 = arith.constant 0 : i32
        %swap3A_639 = arith.index_cast %swap3A_638 : i32 to index
        %swap3A_640 = arith.index_cast %scan3A_626 : i32 to index
        %swap3A_641 = arith.constant 0 : index
        %swap3A_642 = tpu.vector_load %arg10[%swap3A_639, %swap3A_640, %swap3A_641] {strides = array<i32>} : memref<4x128x64xf32, #tpu.memory_space<vmem>>, vector<16xf32>,
        tpu.vector_store %arg10[%swap3A_639, %swap3A_640, %swap3A_641], %mul3A_637 {strides = array<i32>} : memref<4x128x64xf32, #tpu.memory_space<vmem>>, vector<16xf32>,
        %get3A_643 = arith.constant 0 : i32
        %get3A_644 = arith.index_cast %get3A_643 : i32 to index
        %get3A_645 = arith.index_cast %scan3A_626 : i32 to index
        %get3A_646 = arith.constant 16 : index
        %get3A_647 = tpu.vector_load %arg10[%get3A_644, %get3A_645, %get3A_646] {strides = array<i32>} : memref<4x128x64xf32, #tpu.memory_space<vmem>>, vector<16xf32>,
        %mul3A_648 = arith.mulf %get3A_647, %gather3A_631 : vector<16xf32>
        %swap3A_649 = arith.constant 0 : i32
        %swap3A_650 = arith.index_cast %swap3A_649 : i32 to index
        %swap3A_651 = arith.index_cast %scan3A_626 : i32 to index
        %swap3A_652 = arith.constant 16 : index
        %swap3A_653 = tpu.vector_load %arg10[%swap3A_650, %swap3A_651, %swap3A_652] {strides = array<i32>} : memref<4x128x64xf32, #tpu.memory_space<vmem>>, vector<16xf32>,
        tpu.vector_store %arg10[%swap3A_650, %swap3A_651, %swap3A_652], %mul3A_648 {strides = array<i32>} : memref<4x128x64xf32, #tpu.memory_space<vmem>>, vector<16xf32>,
        %get3A_654 = arith.constant 0 : i32
        %get3A_655 = arith.index_cast %get3A_654 : i32 to index
        %get3A_656 = arith.index_cast %scan3A_626 : i32 to index
        %get3A_657 = arith.constant 32 : index
        %get3A_658 = tpu.vector_load %arg10[%get3A_655, %get3A_656, %get3A_657] {strides = array<i32>} : memref<4x128x64xf32, #tpu.memory_space<vmem>>, vector<16xf32>,
        %mul3A_659 = arith.mulf %get3A_658, %gather3A_631 : vector<16xf32>
        %swap3A_660 = arith.constant 0 : i32
        %swap3A_661 = arith.index_cast %swap3A_660 : i32 to index
        %swap3A_662 = arith.index_cast %scan3A_626 : i32 to index
        %swap3A_663 = arith.constant 32 : index
        %swap3A_664 = tpu.vector_load %arg10[%swap3A_661, %swap3A_662, %swap3A_663] {strides = array<i32>} : memref<4x128x64xf32, #tpu.memory_space<vmem>>, vector<16xf32>,
        tpu.vector_store %arg10[%swap3A_661, %swap3A_662, %swap3A_663], %mul3A_659 {strides = array<i32>} : memref<4x128x64xf32, #tpu.memory_space<vmem>>, vector<16xf32>,
        %get3A_665 = arith.constant 0 : i32
        %get3A_666 = arith.index_cast %get3A_665 : i32 to index
        %get3A_667 = arith.index_cast %scan3A_626 : i32 to index
        %get3A_668 = arith.constant 48 : index
        %get3A_669 = tpu.vector_load %arg10[%get3A_666, %get3A_667, %get3A_668] {strides = array<i32>} : memref<4x128x64xf32, #tpu.memory_space<vmem>>, vector<16xf32>,
        %mul3A_670 = arith.mulf %get3A_669, %gather3A_631 : vector<16xf32>
        %swap3A_671 = arith.constant 0 : i32
        %swap3A_672 = arith.index_cast %swap3A_671 : i32 to index
        %swap3A_673 = arith.index_cast %scan3A_626 : i32 to index
        %swap3A_674 = arith.constant 48 : index
        %swap3A_675 = tpu.vector_load %arg10[%swap3A_672, %swap3A_673, %swap3A_674] {strides = array<i32>} : memref<4x128x64xf32, #tpu.memory_space<vmem>>, vector<16xf32>,
        tpu.vector_store %arg10[%swap3A_672, %swap3A_673, %swap3A_674], %mul3A_670 {strides = array<i32>} : memref<4x128x64xf32, #tpu.memory_space<vmem>>, vector<16xf32>,
        %scan3A_676 = arith.constant 0 : i32
        scf.yield %scan3A_676 : i32
      }
      %scan3A_388 = arith.constant 128 : i32
      %add3A_389 = arith.constant 3 : i32
      %add3A_390 = arith.addi %scan3A_349, %add3A_389 : i32
      %sub3A = arith.constant 1 : i32
      %sub3A_391 = arith.subi %add3A_390, %sub3A : i32
      %rem3A_392 = arith.constant 3 : i32
      %rem3A_393 = arith.remsi %sub3A_391, %rem3A_392 : i32
      %ge3A_394 = arith.constant 2 : i32
      %ge3A_395 = arith.cmpi sge, %add3A_369, %ge3A_394 : i32
      %convert_element_type3A_396 = arith.extui %ge3A_395 : i1 to i32
      %cond3A_397 = arith.constant 0 : i32
      %cond3A_398 = arith.cmpi ne, %convert_element_type3A_396, %cond3A_397 : i32
      scf.if %cond3A_398 {
        %dma_wait3A_576 = arith.constant 2 : i32
        %dma_wait3A_577 = arith.constant 2 : i32
        %dma_wait3A_578 = arith.constant 0 : i32
        %dma_wait3A_579 = arith.constant 0 : i32
        %dma_wait3A_580 = tpu.memref_slice %arg10[%dma_wait3A_576, %dma_wait3A_578, %dma_wait3A_579] : memref<4x128x64xf32, #tpu.memory_space<vmem>> -> memref<1x128x64xf32, #tpu.memory_space<vmem>>
        %dma_wait3A_581 = tpu.memref_squeeze %dma_wait3A_580 : memref<1x128x64xf32, #tpu.memory_space<vmem>> -> memref<128x64xf32, #tpu.memory_space<vmem>>
        %dma_wait3A_582 = arith.constant 0 : i32
        %dma_wait3A_583 = tpu.memref_slice %arg7[%rem3A_393, %dma_wait3A_577, %dma_wait3A_582] : memref<3x4x128xi32, #tpu.memory_space<vmem>> -> memref<1x1x128xi32, #tpu.memory_space<vmem>>
        %dma_wait3A_584 = tpu.memref_squeeze %dma_wait3A_583 : memref<1x1x128xi32, #tpu.memory_space<vmem>> -> memref<128xi32, #tpu.memory_space<vmem>>
        %dma_wait3A_585 = arith.constant 0 : i32
        %dma_wait3A_586 = arith.constant 0 : i32
        %dma_wait3A_587 = tpu.memref_slice %arg12[%dma_wait3A_585, %dma_wait3A_586] : memref<10000x64xf32, #tpu.memory_space<vmem_shared>> -> memref<10000x64xf32, #tpu.memory_space<vmem_shared>>
        tpu.wait_indirect_dma semaphore(%arg14 : memref<!tpu.dma_semaphore, #tpu.memory_space<semaphore_mem>>) src(%dma_wait3A_581 : memref<128x64xf32, #tpu.memory_space<vmem>>) dst(%dma_wait3A_587 : memref<10000x64xf32, #tpu.memory_space<vmem_shared>>)
      } else {
      }
      %add3A_399 = arith.constant 2 : i32
      %add3A_400 = arith.addi %add3A_369, %add3A_399 : i32
      %lt3A_401 = arith.constant 160 : i32
      %lt3A_402 = arith.cmpi slt, %add3A_400, %lt3A_401 : i32
      %convert_element_type3A_403 = arith.extui %lt3A_402 : i1 to i32
      %cond3A_404 = arith.constant 0 : i32
      %cond3A_405 = arith.cmpi ne, %convert_element_type3A_403, %cond3A_404 : i32
      scf.if %cond3A_405 {
        %dma_start3A_576 = arith.constant 2 : i32
        %dma_start3A_577 = arith.constant 2 : i32
        %dma_start3A_578 = arith.constant 0 : i32
        %dma_start3A_579 = arith.constant 0 : i32
        %dma_start3A_580 = tpu.memref_slice %arg10[%dma_start3A_577, %dma_start3A_578, %dma_start3A_579] : memref<4x128x64xf32, #tpu.memory_space<vmem>> -> memref<1x128x64xf32, #tpu.memory_space<vmem>>
        %dma_start3A_581 = tpu.memref_squeeze %dma_start3A_580 : memref<1x128x64xf32, #tpu.memory_space<vmem>> -> memref<128x64xf32, #tpu.memory_space<vmem>>
        %dma_start3A_582 = arith.constant 0 : i32
        %dma_start3A_583 = tpu.memref_slice %arg8[%rem3A_352, %dma_start3A_576, %dma_start3A_582] : memref<3x4x128xi32, #tpu.memory_space<vmem>> -> memref<1x1x128xi32, #tpu.memory_space<vmem>>
        %dma_start3A_584 = tpu.memref_squeeze %dma_start3A_583 : memref<1x1x128xi32, #tpu.memory_space<vmem>> -> memref<128xi32, #tpu.memory_space<vmem>>
        %dma_start3A_585 = arith.constant 0 : i32
        %dma_start3A_586 = arith.constant 0 : i32
        %dma_start3A_587 = tpu.memref_slice %arg11[%dma_start3A_585, %dma_start3A_586] : memref<10000x64xf32, #tpu.memory_space<vmem_shared>> -> memref<10000x64xf32, #tpu.memory_space<vmem_shared>>
        tpu.enqueue_indirect_dma source(%dma_start3A_587 : memref<10000x64xf32, #tpu.memory_space<vmem_shared>>) target(%dma_start3A_581 : memref<128x64xf32, #tpu.memory_space<vmem>>) offsets(%dma_start3A_584 : memref<128xi32, #tpu.memory_space<vmem>>) semaphore(%arg13 : memref<!tpu.dma_semaphore, #tpu.memory_space<semaphore_mem>>)
      } else {
      }
      %dma_start3A_406 = arith.constant 0 : i32
      %dma_start3A_407 = arith.constant 0 : i32
      %dma_start3A_408 = arith.constant 0 : i32
      %dma_start3A_409 = arith.constant 0 : i32
      %dma_start3A_410 = tpu.memref_slice %arg10[%dma_start3A_406, %dma_start3A_408, %dma_start3A_409] : memref<4x128x64xf32, #tpu.memory_space<vmem>> -> memref<1x128x64xf32, #tpu.memory_space<vmem>>
      %dma_start3A_411 = tpu.memref_squeeze %dma_start3A_410 : memref<1x128x64xf32, #tpu.memory_space<vmem>> -> memref<128x64xf32, #tpu.memory_space<vmem>>
      %dma_start3A_412 = arith.constant 0 : i32
      %dma_start3A_413 = tpu.memref_slice %arg7[%rem3A_352, %dma_start3A_407, %dma_start3A_412] : memref<3x4x128xi32, #tpu.memory_space<vmem>> -> memref<1x1x128xi32, #tpu.memory_space<vmem>>
      %dma_start3A_414 = tpu.memref_squeeze %dma_start3A_413 : memref<1x1x128xi32, #tpu.memory_space<vmem>> -> memref<128xi32, #tpu.memory_space<vmem>>
      %dma_start3A_415 = arith.constant 0 : i32
      %dma_start3A_416 = arith.constant 0 : i32
      %dma_start3A_417 = tpu.memref_slice %arg12[%dma_start3A_415, %dma_start3A_416] : memref<10000x64xf32, #tpu.memory_space<vmem_shared>> -> memref<10000x64xf32, #tpu.memory_space<vmem_shared>>
      tpu.enqueue_indirect_dma source(%dma_start3A_411 : memref<128x64xf32, #tpu.memory_space<vmem>>) target(%dma_start3A_417 : memref<10000x64xf32, #tpu.memory_space<vmem_shared>>) offsets(%dma_start3A_414 : memref<128xi32, #tpu.memory_space<vmem>>) semaphore(%arg14 : memref<!tpu.dma_semaphore, #tpu.memory_space<semaphore_mem>>) {add = true}
      %mul3A_418 = arith.constant 4 : i32
      %mul3A_419 = arith.muli %scan3A_349, %mul3A_418 : i32
      %add3A_420 = arith.constant 1 : i32
      %add3A_421 = arith.addi %mul3A_419, %add3A_420 : i32
      %dma_wait3A_422 = arith.constant 1 : i32
      %dma_wait3A_423 = arith.constant 1 : i32
      %dma_wait3A_424 = arith.constant 0 : i32
      %dma_wait3A_425 = arith.constant 0 : i32
      %dma_wait3A_426 = tpu.memref_slice %arg10[%dma_wait3A_423, %dma_wait3A_424, %dma_wait3A_425] : memref<4x128x64xf32, #tpu.memory_space<vmem>> -> memref<1x128x64xf32, #tpu.memory_space<vmem>>
      %dma_wait3A_427 = tpu.memref_squeeze %dma_wait3A_426 : memref<1x128x64xf32, #tpu.memory_space<vmem>> -> memref<128x64xf32, #tpu.memory_space<vmem>>
      %dma_wait3A_428 = arith.constant 0 : i32
      %dma_wait3A_429 = tpu.memref_slice %arg8[%rem3A_352, %dma_wait3A_422, %dma_wait3A_428] : memref<3x4x128xi32, #tpu.memory_space<vmem>> -> memref<1x1x128xi32, #tpu.memory_space<vmem>>
      %dma_wait3A_430 = tpu.memref_squeeze %dma_wait3A_429 : memref<1x1x128xi32, #tpu.memory_space<vmem>> -> memref<128xi32, #tpu.memory_space<vmem>>
      %dma_wait3A_431 = arith.constant 0 : i32
      %dma_wait3A_432 = arith.constant 0 : i32
      %dma_wait3A_433 = tpu.memref_slice %arg11[%dma_wait3A_431, %dma_wait3A_432] : memref<10000x64xf32, #tpu.memory_space<vmem_shared>> -> memref<10000x64xf32, #tpu.memory_space<vmem_shared>>
      tpu.wait_indirect_dma semaphore(%arg13 : memref<!tpu.dma_semaphore, #tpu.memory_space<semaphore_mem>>) src(%dma_wait3A_433 : memref<10000x64xf32, #tpu.memory_space<vmem_shared>>) dst(%dma_wait3A_427 : memref<128x64xf32, #tpu.memory_space<vmem>>)
      %scan3A_434 = arith.constant 0 : i32
      %scan3A_435 = arith.constant 0 : i32
      %scan3A_436 = arith.constant 128 : i32
      %scan3A_437 = arith.addi %scan3A_435, %scan3A_436 : i32
      %scan3A_438 = arith.constant 2 : i32
      %scan3A_439 = scf.for %scan3A_576 = %scan3A_435 to %scan3A_437 step %scan3A_438 iter_args(%scan3A_577 = %scan3A_434) -> (i32)  : i32 {
        %broadcast_in_dim3A_578 = vector.broadcast %rem3A_352 : i32 to vector<16xi32>
        %add3A_579 = arith.constant 128 : i32
        %add3A_580 = arith.addi %add3A_579, %scan3A_576 : i32
        %broadcast_in_dim3A_581 = vector.broadcast %add3A_580 : i32 to vector<16xi32>
        %gather3A = tpu.vector_load_idx %arg9[%broadcast_in_dim3A_578, %broadcast_in_dim3A_581] : memref<3x512xf32, #tpu.memory_space<vmem>>[vector<16xi32>, vector<16xi32>], vector<16xf32>,
        %get3A = arith.constant 1 : i32
        %get3A_582 = arith.index_cast %get3A : i32 to index
        %get3A_583 = arith.index_cast %scan3A_576 : i32 to index
        %get3A_584 = arith.constant 0 : index
        %get3A_585 = tpu.vector_load %arg10[%get3A_582, %get3A_583, %get3A_584] {strides = array<i32>} : memref<4x128x64xf32, #tpu.memory_space<vmem>>, vector<16xf32>,
        %mul3A_586 = arith.mulf %get3A_585, %gather3A : vector<16xf32>
        %swap3A = arith.constant 1 : i32
        %swap3A_587 = arith.index_cast %swap3A : i32 to index
        %swap3A_588 = arith.index_cast %scan3A_576 : i32 to index
        %swap3A_589 = arith.constant 0 : index
        %swap3A_590 = tpu.vector_load %arg10[%swap3A_587, %swap3A_588, %swap3A_589] {strides = array<i32>} : memref<4x128x64xf32, #tpu.memory_space<vmem>>, vector<16xf32>,
        tpu.vector_store %arg10[%swap3A_587, %swap3A_588, %swap3A_589], %mul3A_586 {strides = array<i32>} : memref<4x128x64xf32, #tpu.memory_space<vmem>>, vector<16xf32>,
        %get3A_591 = arith.constant 1 : i32
        %get3A_592 = arith.index_cast %get3A_591 : i32 to index
        %get3A_593 = arith.index_cast %scan3A_576 : i32 to index
        %get3A_594 = arith.constant 16 : index
        %get3A_595 = tpu.vector_load %arg10[%get3A_592, %get3A_593, %get3A_594] {strides = array<i32>} : memref<4x128x64xf32, #tpu.memory_space<vmem>>, vector<16xf32>,
        %mul3A_596 = arith.mulf %get3A_595, %gather3A : vector<16xf32>
        %swap3A_597 = arith.constant 1 : i32
        %swap3A_598 = arith.index_cast %swap3A_597 : i32 to index
        %swap3A_599 = arith.index_cast %scan3A_576 : i32 to index
        %swap3A_600 = arith.constant 16 : index
        %swap3A_601 = tpu.vector_load %arg10[%swap3A_598, %swap3A_599, %swap3A_600] {strides = array<i32>} : memref<4x128x64xf32, #tpu.memory_space<vmem>>, vector<16xf32>,
        tpu.vector_store %arg10[%swap3A_598, %swap3A_599, %swap3A_600], %mul3A_596 {strides = array<i32>} : memref<4x128x64xf32, #tpu.memory_space<vmem>>, vector<16xf32>,
        %get3A_602 = arith.constant 1 : i32
        %get3A_603 = arith.index_cast %get3A_602 : i32 to index
        %get3A_604 = arith.index_cast %scan3A_576 : i32 to index
        %get3A_605 = arith.constant 32 : index
        %get3A_606 = tpu.vector_load %arg10[%get3A_603, %get3A_604, %get3A_605] {strides = array<i32>} : memref<4x128x64xf32, #tpu.memory_space<vmem>>, vector<16xf32>,
        %mul3A_607 = arith.mulf %get3A_606, %gather3A : vector<16xf32>
        %swap3A_608 = arith.constant 1 : i32
        %swap3A_609 = arith.index_cast %swap3A_608 : i32 to index
        %swap3A_610 = arith.index_cast %scan3A_576 : i32 to index
        %swap3A_611 = arith.constant 32 : index
        %swap3A_612 = tpu.vector_load %arg10[%swap3A_609, %swap3A_610, %swap3A_611] {strides = array<i32>} : memref<4x128x64xf32, #tpu.memory_space<vmem>>, vector<16xf32>,
        tpu.vector_store %arg10[%swap3A_609, %swap3A_610, %swap3A_611], %mul3A_607 {strides = array<i32>} : memref<4x128x64xf32, #tpu.memory_space<vmem>>, vector<16xf32>,
        %get3A_613 = arith.constant 1 : i32
        %get3A_614 = arith.index_cast %get3A_613 : i32 to index
        %get3A_615 = arith.index_cast %scan3A_576 : i32 to index
        %get3A_616 = arith.constant 48 : index
        %get3A_617 = tpu.vector_load %arg10[%get3A_614, %get3A_615, %get3A_616] {strides = array<i32>} : memref<4x128x64xf32, #tpu.memory_space<vmem>>, vector<16xf32>,
        %mul3A_618 = arith.mulf %get3A_617, %gather3A : vector<16xf32>
        %swap3A_619 = arith.constant 1 : i32
        %swap3A_620 = arith.index_cast %swap3A_619 : i32 to index
        %swap3A_621 = arith.index_cast %scan3A_576 : i32 to index
        %swap3A_622 = arith.constant 48 : index
        %swap3A_623 = tpu.vector_load %arg10[%swap3A_620, %swap3A_621, %swap3A_622] {strides = array<i32>} : memref<4x128x64xf32, #tpu.memory_space<vmem>>, vector<16xf32>,
        tpu.vector_store %arg10[%swap3A_620, %swap3A_621, %swap3A_622], %mul3A_618 {strides = array<i32>} : memref<4x128x64xf32, #tpu.memory_space<vmem>>, vector<16xf32>,
        %scan3A_624 = arith.constant 0 : i32
        %scan3A_625 = arith.constant 1 : i32
        %scan3A_626 = arith.addi %scan3A_576, %scan3A_625 : i32
        %broadcast_in_dim3A_627 = vector.broadcast %rem3A_352 : i32 to vector<16xi32>
        %add3A_628 = arith.constant 128 : i32
        %add3A_629 = arith.addi %add3A_628, %scan3A_626 : i32
        %broadcast_in_dim3A_630 = vector.broadcast %add3A_629 : i32 to vector<16xi32>
        %gather3A_631 = tpu.vector_load_idx %arg9[%broadcast_in_dim3A_627, %broadcast_in_dim3A_630] : memref<3x512xf32, #tpu.memory_space<vmem>>[vector<16xi32>, vector<16xi32>], vector<16xf32>,
        %get3A_632 = arith.constant 1 : i32
        %get3A_633 = arith.index_cast %get3A_632 : i32 to index
        %get3A_634 = arith.index_cast %scan3A_626 : i32 to index
        %get3A_635 = arith.constant 0 : index
        %get3A_636 = tpu.vector_load %arg10[%get3A_633, %get3A_634, %get3A_635] {strides = array<i32>} : memref<4x128x64xf32, #tpu.memory_space<vmem>>, vector<16xf32>,
        %mul3A_637 = arith.mulf %get3A_636, %gather3A_631 : vector<16xf32>
        %swap3A_638 = arith.constant 1 : i32
        %swap3A_639 = arith.index_cast %swap3A_638 : i32 to index
        %swap3A_640 = arith.index_cast %scan3A_626 : i32 to index
        %swap3A_641 = arith.constant 0 : index
        %swap3A_642 = tpu.vector_load %arg10[%swap3A_639, %swap3A_640, %swap3A_641] {strides = array<i32>} : memref<4x128x64xf32, #tpu.memory_space<vmem>>, vector<16xf32>,
        tpu.vector_store %arg10[%swap3A_639, %swap3A_640, %swap3A_641], %mul3A_637 {strides = array<i32>} : memref<4x128x64xf32, #tpu.memory_space<vmem>>, vector<16xf32>,
        %get3A_643 = arith.constant 1 : i32
        %get3A_644 = arith.index_cast %get3A_643 : i32 to index
        %get3A_645 = arith.index_cast %scan3A_626 : i32 to index
        %get3A_646 = arith.constant 16 : index
        %get3A_647 = tpu.vector_load %arg10[%get3A_644, %get3A_645, %get3A_646] {strides = array<i32>} : memref<4x128x64xf32, #tpu.memory_space<vmem>>, vector<16xf32>,
        %mul3A_648 = arith.mulf %get3A_647, %gather3A_631 : vector<16xf32>
        %swap3A_649 = arith.constant 1 : i32
        %swap3A_650 = arith.index_cast %swap3A_649 : i32 to index
        %swap3A_651 = arith.index_cast %scan3A_626 : i32 to index
        %swap3A_652 = arith.constant 16 : index
        %swap3A_653 = tpu.vector_load %arg10[%swap3A_650, %swap3A_651, %swap3A_652] {strides = array<i32>} : memref<4x128x64xf32, #tpu.memory_space<vmem>>, vector<16xf32>,
        tpu.vector_store %arg10[%swap3A_650, %swap3A_651, %swap3A_652], %mul3A_648 {strides = array<i32>} : memref<4x128x64xf32, #tpu.memory_space<vmem>>, vector<16xf32>,
        %get3A_654 = arith.constant 1 : i32
        %get3A_655 = arith.index_cast %get3A_654 : i32 to index
        %get3A_656 = arith.index_cast %scan3A_626 : i32 to index
        %get3A_657 = arith.constant 32 : index
        %get3A_658 = tpu.vector_load %arg10[%get3A_655, %get3A_656, %get3A_657] {strides = array<i32>} : memref<4x128x64xf32, #tpu.memory_space<vmem>>, vector<16xf32>,
        %mul3A_659 = arith.mulf %get3A_658, %gather3A_631 : vector<16xf32>
        %swap3A_660 = arith.constant 1 : i32
        %swap3A_661 = arith.index_cast %swap3A_660 : i32 to index
        %swap3A_662 = arith.index_cast %scan3A_626 : i32 to index
        %swap3A_663 = arith.constant 32 : index
        %swap3A_664 = tpu.vector_load %arg10[%swap3A_661, %swap3A_662, %swap3A_663] {strides = array<i32>} : memref<4x128x64xf32, #tpu.memory_space<vmem>>, vector<16xf32>,
        tpu.vector_store %arg10[%swap3A_661, %swap3A_662, %swap3A_663], %mul3A_659 {strides = array<i32>} : memref<4x128x64xf32, #tpu.memory_space<vmem>>, vector<16xf32>,
        %get3A_665 = arith.constant 1 : i32
        %get3A_666 = arith.index_cast %get3A_665 : i32 to index
        %get3A_667 = arith.index_cast %scan3A_626 : i32 to index
        %get3A_668 = arith.constant 48 : index
        %get3A_669 = tpu.vector_load %arg10[%get3A_666, %get3A_667, %get3A_668] {strides = array<i32>} : memref<4x128x64xf32, #tpu.memory_space<vmem>>, vector<16xf32>,
        %mul3A_670 = arith.mulf %get3A_669, %gather3A_631 : vector<16xf32>
        %swap3A_671 = arith.constant 1 : i32
        %swap3A_672 = arith.index_cast %swap3A_671 : i32 to index
        %swap3A_673 = arith.index_cast %scan3A_626 : i32 to index
        %swap3A_674 = arith.constant 48 : index
        %swap3A_675 = tpu.vector_load %arg10[%swap3A_672, %swap3A_673, %swap3A_674] {strides = array<i32>} : memref<4x128x64xf32, #tpu.memory_space<vmem>>, vector<16xf32>,
        tpu.vector_store %arg10[%swap3A_672, %swap3A_673, %swap3A_674], %mul3A_670 {strides = array<i32>} : memref<4x128x64xf32, #tpu.memory_space<vmem>>, vector<16xf32>,
        %scan3A_676 = arith.constant 0 : i32
        scf.yield %scan3A_676 : i32
      }
      %scan3A_440 = arith.constant 128 : i32
      %add3A_441 = arith.constant 3 : i32
      %add3A_442 = arith.addi %scan3A_349, %add3A_441 : i32
      %sub3A_443 = arith.constant 1 : i32
      %sub3A_444 = arith.subi %add3A_442, %sub3A_443 : i32
      %rem3A_445 = arith.constant 3 : i32
      %rem3A_446 = arith.remsi %sub3A_444, %rem3A_445 : i32
      %ge3A_447 = arith.constant 2 : i32
      %ge3A_448 = arith.cmpi sge, %add3A_421, %ge3A_447 : i32
      %convert_element_type3A_449 = arith.extui %ge3A_448 : i1 to i32
      %cond3A_450 = arith.constant 0 : i32
      %cond3A_451 = arith.cmpi ne, %convert_element_type3A_449, %cond3A_450 : i32
      scf.if %cond3A_451 {
        %dma_wait3A_576 = arith.constant 3 : i32
        %dma_wait3A_577 = arith.constant 3 : i32
        %dma_wait3A_578 = arith.constant 0 : i32
        %dma_wait3A_579 = arith.constant 0 : i32
        %dma_wait3A_580 = tpu.memref_slice %arg10[%dma_wait3A_576, %dma_wait3A_578, %dma_wait3A_579] : memref<4x128x64xf32, #tpu.memory_space<vmem>> -> memref<1x128x64xf32, #tpu.memory_space<vmem>>
        %dma_wait3A_581 = tpu.memref_squeeze %dma_wait3A_580 : memref<1x128x64xf32, #tpu.memory_space<vmem>> -> memref<128x64xf32, #tpu.memory_space<vmem>>
        %dma_wait3A_582 = arith.constant 0 : i32
        %dma_wait3A_583 = tpu.memref_slice %arg7[%rem3A_446, %dma_wait3A_577, %dma_wait3A_582] : memref<3x4x128xi32, #tpu.memory_space<vmem>> -> memref<1x1x128xi32, #tpu.memory_space<vmem>>
        %dma_wait3A_584 = tpu.memref_squeeze %dma_wait3A_583 : memref<1x1x128xi32, #tpu.memory_space<vmem>> -> memref<128xi32, #tpu.memory_space<vmem>>
        %dma_wait3A_585 = arith.constant 0 : i32
        %dma_wait3A_586 = arith.constant 0 : i32
        %dma_wait3A_587 = tpu.memref_slice %arg12[%dma_wait3A_585, %dma_wait3A_586] : memref<10000x64xf32, #tpu.memory_space<vmem_shared>> -> memref<10000x64xf32, #tpu.memory_space<vmem_shared>>
        tpu.wait_indirect_dma semaphore(%arg14 : memref<!tpu.dma_semaphore, #tpu.memory_space<semaphore_mem>>) src(%dma_wait3A_581 : memref<128x64xf32, #tpu.memory_space<vmem>>) dst(%dma_wait3A_587 : memref<10000x64xf32, #tpu.memory_space<vmem_shared>>)
      } else {
      }
      %add3A_452 = arith.constant 2 : i32
      %add3A_453 = arith.addi %add3A_421, %add3A_452 : i32
      %lt3A_454 = arith.constant 160 : i32
      %lt3A_455 = arith.cmpi slt, %add3A_453, %lt3A_454 : i32
      %convert_element_type3A_456 = arith.extui %lt3A_455 : i1 to i32
      %cond3A_457 = arith.constant 0 : i32
      %cond3A_458 = arith.cmpi ne, %convert_element_type3A_456, %cond3A_457 : i32
      scf.if %cond3A_458 {
        %dma_start3A_576 = arith.constant 3 : i32
        %dma_start3A_577 = arith.constant 3 : i32
        %dma_start3A_578 = arith.constant 0 : i32
        %dma_start3A_579 = arith.constant 0 : i32
        %dma_start3A_580 = tpu.memref_slice %arg10[%dma_start3A_577, %dma_start3A_578, %dma_start3A_579] : memref<4x128x64xf32, #tpu.memory_space<vmem>> -> memref<1x128x64xf32, #tpu.memory_space<vmem>>
        %dma_start3A_581 = tpu.memref_squeeze %dma_start3A_580 : memref<1x128x64xf32, #tpu.memory_space<vmem>> -> memref<128x64xf32, #tpu.memory_space<vmem>>
        %dma_start3A_582 = arith.constant 0 : i32
        %dma_start3A_583 = tpu.memref_slice %arg8[%rem3A_352, %dma_start3A_576, %dma_start3A_582] : memref<3x4x128xi32, #tpu.memory_space<vmem>> -> memref<1x1x128xi32, #tpu.memory_space<vmem>>
        %dma_start3A_584 = tpu.memref_squeeze %dma_start3A_583 : memref<1x1x128xi32, #tpu.memory_space<vmem>> -> memref<128xi32, #tpu.memory_space<vmem>>
        %dma_start3A_585 = arith.constant 0 : i32
        %dma_start3A_586 = arith.constant 0 : i32
        %dma_start3A_587 = tpu.memref_slice %arg11[%dma_start3A_585, %dma_start3A_586] : memref<10000x64xf32, #tpu.memory_space<vmem_shared>> -> memref<10000x64xf32, #tpu.memory_space<vmem_shared>>
        tpu.enqueue_indirect_dma source(%dma_start3A_587 : memref<10000x64xf32, #tpu.memory_space<vmem_shared>>) target(%dma_start3A_581 : memref<128x64xf32, #tpu.memory_space<vmem>>) offsets(%dma_start3A_584 : memref<128xi32, #tpu.memory_space<vmem>>) semaphore(%arg13 : memref<!tpu.dma_semaphore, #tpu.memory_space<semaphore_mem>>)
      } else {
      }
      %dma_start3A_459 = arith.constant 1 : i32
      %dma_start3A_460 = arith.constant 1 : i32
      %dma_start3A_461 = arith.constant 0 : i32
      %dma_start3A_462 = arith.constant 0 : i32
      %dma_start3A_463 = tpu.memref_slice %arg10[%dma_start3A_459, %dma_start3A_461, %dma_start3A_462] : memref<4x128x64xf32, #tpu.memory_space<vmem>> -> memref<1x128x64xf32, #tpu.memory_space<vmem>>
      %dma_start3A_464 = tpu.memref_squeeze %dma_start3A_463 : memref<1x128x64xf32, #tpu.memory_space<vmem>> -> memref<128x64xf32, #tpu.memory_space<vmem>>
      %dma_start3A_465 = arith.constant 0 : i32
      %dma_start3A_466 = tpu.memref_slice %arg7[%rem3A_352, %dma_start3A_460, %dma_start3A_465] : memref<3x4x128xi32, #tpu.memory_space<vmem>> -> memref<1x1x128xi32, #tpu.memory_space<vmem>>
      %dma_start3A_467 = tpu.memref_squeeze %dma_start3A_466 : memref<1x1x128xi32, #tpu.memory_space<vmem>> -> memref<128xi32, #tpu.memory_space<vmem>>
      %dma_start3A_468 = arith.constant 0 : i32
      %dma_start3A_469 = arith.constant 0 : i32
      %dma_start3A_470 = tpu.memref_slice %arg12[%dma_start3A_468, %dma_start3A_469] : memref<10000x64xf32, #tpu.memory_space<vmem_shared>> -> memref<10000x64xf32, #tpu.memory_space<vmem_shared>>
      tpu.enqueue_indirect_dma source(%dma_start3A_464 : memref<128x64xf32, #tpu.memory_space<vmem>>) target(%dma_start3A_470 : memref<10000x64xf32, #tpu.memory_space<vmem_shared>>) offsets(%dma_start3A_467 : memref<128xi32, #tpu.memory_space<vmem>>) semaphore(%arg14 : memref<!tpu.dma_semaphore, #tpu.memory_space<semaphore_mem>>) {add = true}
      %mul3A_471 = arith.constant 4 : i32
      %mul3A_472 = arith.muli %scan3A_349, %mul3A_471 : i32
      %add3A_473 = arith.constant 2 : i32
      %add3A_474 = arith.addi %mul3A_472, %add3A_473 : i32
      %dma_wait3A_475 = arith.constant 2 : i32
      %dma_wait3A_476 = arith.constant 2 : i32
      %dma_wait3A_477 = arith.constant 0 : i32
      %dma_wait3A_478 = arith.constant 0 : i32
      %dma_wait3A_479 = tpu.memref_slice %arg10[%dma_wait3A_476, %dma_wait3A_477, %dma_wait3A_478] : memref<4x128x64xf32, #tpu.memory_space<vmem>> -> memref<1x128x64xf32, #tpu.memory_space<vmem>>
      %dma_wait3A_480 = tpu.memref_squeeze %dma_wait3A_479 : memref<1x128x64xf32, #tpu.memory_space<vmem>> -> memref<128x64xf32, #tpu.memory_space<vmem>>
      %dma_wait3A_481 = arith.constant 0 : i32
      %dma_wait3A_482 = tpu.memref_slice %arg8[%rem3A_352, %dma_wait3A_475, %dma_wait3A_481] : memref<3x4x128xi32, #tpu.memory_space<vmem>> -> memref<1x1x128xi32, #tpu.memory_space<vmem>>
      %dma_wait3A_483 = tpu.memref_squeeze %dma_wait3A_482 : memref<1x1x128xi32, #tpu.memory_space<vmem>> -> memref<128xi32, #tpu.memory_space<vmem>>
      %dma_wait3A_484 = arith.constant 0 : i32
      %dma_wait3A_485 = arith.constant 0 : i32
      %dma_wait3A_486 = tpu.memref_slice %arg11[%dma_wait3A_484, %dma_wait3A_485] : memref<10000x64xf32, #tpu.memory_space<vmem_shared>> -> memref<10000x64xf32, #tpu.memory_space<vmem_shared>>
      tpu.wait_indirect_dma semaphore(%arg13 : memref<!tpu.dma_semaphore, #tpu.memory_space<semaphore_mem>>) src(%dma_wait3A_486 : memref<10000x64xf32, #tpu.memory_space<vmem_shared>>) dst(%dma_wait3A_480 : memref<128x64xf32, #tpu.memory_space<vmem>>)
      %scan3A_487 = arith.constant 0 : i32
      %scan3A_488 = arith.constant 0 : i32
      %scan3A_489 = arith.constant 128 : i32
      %scan3A_490 = arith.addi %scan3A_488, %scan3A_489 : i32
      %scan3A_491 = arith.constant 2 : i32
      %scan3A_492 = scf.for %scan3A_576 = %scan3A_488 to %scan3A_490 step %scan3A_491 iter_args(%scan3A_577 = %scan3A_487) -> (i32)  : i32 {
        %broadcast_in_dim3A_578 = vector.broadcast %rem3A_352 : i32 to vector<16xi32>
        %add3A_579 = arith.constant 256 : i32
        %add3A_580 = arith.addi %add3A_579, %scan3A_576 : i32
        %broadcast_in_dim3A_581 = vector.broadcast %add3A_580 : i32 to vector<16xi32>
        %gather3A = tpu.vector_load_idx %arg9[%broadcast_in_dim3A_578, %broadcast_in_dim3A_581] : memref<3x512xf32, #tpu.memory_space<vmem>>[vector<16xi32>, vector<16xi32>], vector<16xf32>,
        %get3A = arith.constant 2 : i32
        %get3A_582 = arith.index_cast %get3A : i32 to index
        %get3A_583 = arith.index_cast %scan3A_576 : i32 to index
        %get3A_584 = arith.constant 0 : index
        %get3A_585 = tpu.vector_load %arg10[%get3A_582, %get3A_583, %get3A_584] {strides = array<i32>} : memref<4x128x64xf32, #tpu.memory_space<vmem>>, vector<16xf32>,
        %mul3A_586 = arith.mulf %get3A_585, %gather3A : vector<16xf32>
        %swap3A = arith.constant 2 : i32
        %swap3A_587 = arith.index_cast %swap3A : i32 to index
        %swap3A_588 = arith.index_cast %scan3A_576 : i32 to index
        %swap3A_589 = arith.constant 0 : index
        %swap3A_590 = tpu.vector_load %arg10[%swap3A_587, %swap3A_588, %swap3A_589] {strides = array<i32>} : memref<4x128x64xf32, #tpu.memory_space<vmem>>, vector<16xf32>,
        tpu.vector_store %arg10[%swap3A_587, %swap3A_588, %swap3A_589], %mul3A_586 {strides = array<i32>} : memref<4x128x64xf32, #tpu.memory_space<vmem>>, vector<16xf32>,
        %get3A_591 = arith.constant 2 : i32
        %get3A_592 = arith.index_cast %get3A_591 : i32 to index
        %get3A_593 = arith.index_cast %scan3A_576 : i32 to index
        %get3A_594 = arith.constant 16 : index
        %get3A_595 = tpu.vector_load %arg10[%get3A_592, %get3A_593, %get3A_594] {strides = array<i32>} : memref<4x128x64xf32, #tpu.memory_space<vmem>>, vector<16xf32>,
        %mul3A_596 = arith.mulf %get3A_595, %gather3A : vector<16xf32>
        %swap3A_597 = arith.constant 2 : i32
        %swap3A_598 = arith.index_cast %swap3A_597 : i32 to index
        %swap3A_599 = arith.index_cast %scan3A_576 : i32 to index
        %swap3A_600 = arith.constant 16 : index
        %swap3A_601 = tpu.vector_load %arg10[%swap3A_598, %swap3A_599, %swap3A_600] {strides = array<i32>} : memref<4x128x64xf32, #tpu.memory_space<vmem>>, vector<16xf32>,
        tpu.vector_store %arg10[%swap3A_598, %swap3A_599, %swap3A_600], %mul3A_596 {strides = array<i32>} : memref<4x128x64xf32, #tpu.memory_space<vmem>>, vector<16xf32>,
        %get3A_602 = arith.constant 2 : i32
        %get3A_603 = arith.index_cast %get3A_602 : i32 to index
        %get3A_604 = arith.index_cast %scan3A_576 : i32 to index
        %get3A_605 = arith.constant 32 : index
        %get3A_606 = tpu.vector_load %arg10[%get3A_603, %get3A_604, %get3A_605] {strides = array<i32>} : memref<4x128x64xf32, #tpu.memory_space<vmem>>, vector<16xf32>,
        %mul3A_607 = arith.mulf %get3A_606, %gather3A : vector<16xf32>
        %swap3A_608 = arith.constant 2 : i32
        %swap3A_609 = arith.index_cast %swap3A_608 : i32 to index
        %swap3A_610 = arith.index_cast %scan3A_576 : i32 to index
        %swap3A_611 = arith.constant 32 : index
        %swap3A_612 = tpu.vector_load %arg10[%swap3A_609, %swap3A_610, %swap3A_611] {strides = array<i32>} : memref<4x128x64xf32, #tpu.memory_space<vmem>>, vector<16xf32>,
        tpu.vector_store %arg10[%swap3A_609, %swap3A_610, %swap3A_611], %mul3A_607 {strides = array<i32>} : memref<4x128x64xf32, #tpu.memory_space<vmem>>, vector<16xf32>,
        %get3A_613 = arith.constant 2 : i32
        %get3A_614 = arith.index_cast %get3A_613 : i32 to index
        %get3A_615 = arith.index_cast %scan3A_576 : i32 to index
        %get3A_616 = arith.constant 48 : index
        %get3A_617 = tpu.vector_load %arg10[%get3A_614, %get3A_615, %get3A_616] {strides = array<i32>} : memref<4x128x64xf32, #tpu.memory_space<vmem>>, vector<16xf32>,
        %mul3A_618 = arith.mulf %get3A_617, %gather3A : vector<16xf32>
        %swap3A_619 = arith.constant 2 : i32
        %swap3A_620 = arith.index_cast %swap3A_619 : i32 to index
        %swap3A_621 = arith.index_cast %scan3A_576 : i32 to index
        %swap3A_622 = arith.constant 48 : index
        %swap3A_623 = tpu.vector_load %arg10[%swap3A_620, %swap3A_621, %swap3A_622] {strides = array<i32>} : memref<4x128x64xf32, #tpu.memory_space<vmem>>, vector<16xf32>,
        tpu.vector_store %arg10[%swap3A_620, %swap3A_621, %swap3A_622], %mul3A_618 {strides = array<i32>} : memref<4x128x64xf32, #tpu.memory_space<vmem>>, vector<16xf32>,
        %scan3A_624 = arith.constant 0 : i32
        %scan3A_625 = arith.constant 1 : i32
        %scan3A_626 = arith.addi %scan3A_576, %scan3A_625 : i32
        %broadcast_in_dim3A_627 = vector.broadcast %rem3A_352 : i32 to vector<16xi32>
        %add3A_628 = arith.constant 256 : i32
        %add3A_629 = arith.addi %add3A_628, %scan3A_626 : i32
        %broadcast_in_dim3A_630 = vector.broadcast %add3A_629 : i32 to vector<16xi32>
        %gather3A_631 = tpu.vector_load_idx %arg9[%broadcast_in_dim3A_627, %broadcast_in_dim3A_630] : memref<3x512xf32, #tpu.memory_space<vmem>>[vector<16xi32>, vector<16xi32>], vector<16xf32>,
        %get3A_632 = arith.constant 2 : i32
        %get3A_633 = arith.index_cast %get3A_632 : i32 to index
        %get3A_634 = arith.index_cast %scan3A_626 : i32 to index
        %get3A_635 = arith.constant 0 : index
        %get3A_636 = tpu.vector_load %arg10[%get3A_633, %get3A_634, %get3A_635] {strides = array<i32>} : memref<4x128x64xf32, #tpu.memory_space<vmem>>, vector<16xf32>,
        %mul3A_637 = arith.mulf %get3A_636, %gather3A_631 : vector<16xf32>
        %swap3A_638 = arith.constant 2 : i32
        %swap3A_639 = arith.index_cast %swap3A_638 : i32 to index
        %swap3A_640 = arith.index_cast %scan3A_626 : i32 to index
        %swap3A_641 = arith.constant 0 : index
        %swap3A_642 = tpu.vector_load %arg10[%swap3A_639, %swap3A_640, %swap3A_641] {strides = array<i32>} : memref<4x128x64xf32, #tpu.memory_space<vmem>>, vector<16xf32>,
        tpu.vector_store %arg10[%swap3A_639, %swap3A_640, %swap3A_641], %mul3A_637 {strides = array<i32>} : memref<4x128x64xf32, #tpu.memory_space<vmem>>, vector<16xf32>,
        %get3A_643 = arith.constant 2 : i32
        %get3A_644 = arith.index_cast %get3A_643 : i32 to index
        %get3A_645 = arith.index_cast %scan3A_626 : i32 to index
        %get3A_646 = arith.constant 16 : index
        %get3A_647 = tpu.vector_load %arg10[%get3A_644, %get3A_645, %get3A_646] {strides = array<i32>} : memref<4x128x64xf32, #tpu.memory_space<vmem>>, vector<16xf32>,
        %mul3A_648 = arith.mulf %get3A_647, %gather3A_631 : vector<16xf32>
        %swap3A_649 = arith.constant 2 : i32
        %swap3A_650 = arith.index_cast %swap3A_649 : i32 to index
        %swap3A_651 = arith.index_cast %scan3A_626 : i32 to index
        %swap3A_652 = arith.constant 16 : index
        %swap3A_653 = tpu.vector_load %arg10[%swap3A_650, %swap3A_651, %swap3A_652] {strides = array<i32>} : memref<4x128x64xf32, #tpu.memory_space<vmem>>, vector<16xf32>,
        tpu.vector_store %arg10[%swap3A_650, %swap3A_651, %swap3A_652], %mul3A_648 {strides = array<i32>} : memref<4x128x64xf32, #tpu.memory_space<vmem>>, vector<16xf32>,
        %get3A_654 = arith.constant 2 : i32
        %get3A_655 = arith.index_cast %get3A_654 : i32 to index
        %get3A_656 = arith.index_cast %scan3A_626 : i32 to index
        %get3A_657 = arith.constant 32 : index
        %get3A_658 = tpu.vector_load %arg10[%get3A_655, %get3A_656, %get3A_657] {strides = array<i32>} : memref<4x128x64xf32, #tpu.memory_space<vmem>>, vector<16xf32>,
        %mul3A_659 = arith.mulf %get3A_658, %gather3A_631 : vector<16xf32>
        %swap3A_660 = arith.constant 2 : i32
        %swap3A_661 = arith.index_cast %swap3A_660 : i32 to index
        %swap3A_662 = arith.index_cast %scan3A_626 : i32 to index
        %swap3A_663 = arith.constant 32 : index
        %swap3A_664 = tpu.vector_load %arg10[%swap3A_661, %swap3A_662, %swap3A_663] {strides = array<i32>} : memref<4x128x64xf32, #tpu.memory_space<vmem>>, vector<16xf32>,
        tpu.vector_store %arg10[%swap3A_661, %swap3A_662, %swap3A_663], %mul3A_659 {strides = array<i32>} : memref<4x128x64xf32, #tpu.memory_space<vmem>>, vector<16xf32>,
        %get3A_665 = arith.constant 2 : i32
        %get3A_666 = arith.index_cast %get3A_665 : i32 to index
        %get3A_667 = arith.index_cast %scan3A_626 : i32 to index
        %get3A_668 = arith.constant 48 : index
        %get3A_669 = tpu.vector_load %arg10[%get3A_666, %get3A_667, %get3A_668] {strides = array<i32>} : memref<4x128x64xf32, #tpu.memory_space<vmem>>, vector<16xf32>,
        %mul3A_670 = arith.mulf %get3A_669, %gather3A_631 : vector<16xf32>
        %swap3A_671 = arith.constant 2 : i32
        %swap3A_672 = arith.index_cast %swap3A_671 : i32 to index
        %swap3A_673 = arith.index_cast %scan3A_626 : i32 to index
        %swap3A_674 = arith.constant 48 : index
        %swap3A_675 = tpu.vector_load %arg10[%swap3A_672, %swap3A_673, %swap3A_674] {strides = array<i32>} : memref<4x128x64xf32, #tpu.memory_space<vmem>>, vector<16xf32>,
        tpu.vector_store %arg10[%swap3A_672, %swap3A_673, %swap3A_674], %mul3A_670 {strides = array<i32>} : memref<4x128x64xf32, #tpu.memory_space<vmem>>, vector<16xf32>,
        %scan3A_676 = arith.constant 0 : i32
        scf.yield %scan3A_676 : i32
      }
      %scan3A_493 = arith.constant 128 : i32
      %ge3A_494 = arith.constant 2 : i32
      %ge3A_495 = arith.cmpi sge, %add3A_474, %ge3A_494 : i32
      %convert_element_type3A_496 = arith.extui %ge3A_495 : i1 to i32
      %cond3A_497 = arith.constant 0 : i32
      %cond3A_498 = arith.cmpi ne, %convert_element_type3A_496, %cond3A_497 : i32
      scf.if %cond3A_498 {
        %dma_wait3A_576 = arith.constant 0 : i32
        %dma_wait3A_577 = arith.constant 0 : i32
        %dma_wait3A_578 = arith.constant 0 : i32
        %dma_wait3A_579 = arith.constant 0 : i32
        %dma_wait3A_580 = tpu.memref_slice %arg10[%dma_wait3A_576, %dma_wait3A_578, %dma_wait3A_579] : memref<4x128x64xf32, #tpu.memory_space<vmem>> -> memref<1x128x64xf32, #tpu.memory_space<vmem>>
        %dma_wait3A_581 = tpu.memref_squeeze %dma_wait3A_580 : memref<1x128x64xf32, #tpu.memory_space<vmem>> -> memref<128x64xf32, #tpu.memory_space<vmem>>
        %dma_wait3A_582 = arith.constant 0 : i32
        %dma_wait3A_583 = tpu.memref_slice %arg7[%rem3A_352, %dma_wait3A_577, %dma_wait3A_582] : memref<3x4x128xi32, #tpu.memory_space<vmem>> -> memref<1x1x128xi32, #tpu.memory_space<vmem>>
        %dma_wait3A_584 = tpu.memref_squeeze %dma_wait3A_583 : memref<1x1x128xi32, #tpu.memory_space<vmem>> -> memref<128xi32, #tpu.memory_space<vmem>>
        %dma_wait3A_585 = arith.constant 0 : i32
        %dma_wait3A_586 = arith.constant 0 : i32
        %dma_wait3A_587 = tpu.memref_slice %arg12[%dma_wait3A_585, %dma_wait3A_586] : memref<10000x64xf32, #tpu.memory_space<vmem_shared>> -> memref<10000x64xf32, #tpu.memory_space<vmem_shared>>
        tpu.wait_indirect_dma semaphore(%arg14 : memref<!tpu.dma_semaphore, #tpu.memory_space<semaphore_mem>>) src(%dma_wait3A_581 : memref<128x64xf32, #tpu.memory_space<vmem>>) dst(%dma_wait3A_587 : memref<10000x64xf32, #tpu.memory_space<vmem_shared>>)
      } else {
      }
      %ge3A_499 = arith.constant 1 : i32
      %ge3A_500 = arith.cmpi sge, %scan3A_349, %ge3A_499 : i32
      %add3A_501 = arith.constant 2 : i32
      %add3A_502 = arith.addi %scan3A_349, %add3A_501 : i32
      %lt3A_503 = arith.constant 40 : i32
      %lt3A_504 = arith.cmpi slt, %add3A_502, %lt3A_503 : i32
      %and3A_505 = arith.andi %ge3A_500, %lt3A_504 : i1
      %convert_element_type3A_506 = arith.extui %and3A_505 : i1 to i32
      %cond3A_507 = arith.constant 0 : i32
      %cond3A_508 = arith.cmpi ne, %convert_element_type3A_506, %cond3A_507 : i32
      scf.if %cond3A_508 {
        %add3A_576 = arith.constant 2 : i32
        %add3A_577 = arith.addi %scan3A_349, %add3A_576 : i32
        %dma_start3A_578 = arith.constant 0 : i32
        %dma_start3A_579 = arith.constant 0 : i32
        %dma_start3A_580 = tpu.memref_slice %arg7[%rem3A_360, %dma_start3A_578, %dma_start3A_579] : memref<3x4x128xi32, #tpu.memory_space<vmem>> -> memref<1x4x128xi32, #tpu.memory_space<vmem>>
        %dma_start3A_581 = tpu.memref_squeeze %dma_start3A_580 : memref<1x4x128xi32, #tpu.memory_space<vmem>> -> memref<4x128xi32, #tpu.memory_space<vmem>>
        %dma_start3A_582 = arith.constant 0 : i32
        %dma_start3A_583 = arith.constant 0 : i32
        %dma_start3A_584 = tpu.memref_slice %arg2[%arg1, %add3A_577, %dma_start3A_582, %dma_start3A_583] : memref<16x40x4x128xi32, #tpu.memory_space<hbm>> -> memref<1x1x4x128xi32, #tpu.memory_space<hbm>>
        %dma_start3A_585 = tpu.memref_squeeze %dma_start3A_584 : memref<1x1x4x128xi32, #tpu.memory_space<hbm>> -> memref<4x128xi32, #tpu.memory_space<hbm>>
        %dma_start3A_586 = arith.constant 0 : i32
        %dma_start3A_587 = arith.constant 0 : i32
        %dma_start3A_588 = tpu.memref_slice %arg7[%rem3A_360, %dma_start3A_586, %dma_start3A_587] : memref<3x4x128xi32, #tpu.memory_space<vmem>> -> memref<1x4x128xi32, #tpu.memory_space<vmem>>
        %dma_start3A_589 = tpu.memref_squeeze %dma_start3A_588 : memref<1x4x128xi32, #tpu.memory_space<vmem>> -> memref<4x128xi32, #tpu.memory_space<vmem>>
        %dma_start3A_590 = arith.constant 0 : i32
        %dma_start3A_591 = arith.constant 0 : i32
        %dma_start3A_592 = tpu.memref_slice %arg2[%arg1, %add3A_577, %dma_start3A_590, %dma_start3A_591] : memref<16x40x4x128xi32, #tpu.memory_space<hbm>> -> memref<1x1x4x128xi32, #tpu.memory_space<hbm>>
        %dma_start3A_593 = tpu.memref_squeeze %dma_start3A_592 : memref<1x1x4x128xi32, #tpu.memory_space<hbm>> -> memref<4x128xi32, #tpu.memory_space<hbm>>
        tpu.enqueue_dma source(%dma_start3A_593 : memref<4x128xi32, #tpu.memory_space<hbm>>) target(%dma_start3A_589 : memref<4x128xi32, #tpu.memory_space<vmem>>) target_semaphore(%arg15 : memref<!tpu.dma_semaphore, #tpu.memory_space<semaphore_mem>>)
        %dma_start3A_594 = arith.constant 0 : i32
        %dma_start3A_595 = arith.constant 0 : i32
        %dma_start3A_596 = tpu.memref_slice %arg8[%rem3A_360, %dma_start3A_594, %dma_start3A_595] : memref<3x4x128xi32, #tpu.memory_space<vmem>> -> memref<1x4x128xi32, #tpu.memory_space<vmem>>
        %dma_start3A_597 = tpu.memref_squeeze %dma_start3A_596 : memref<1x4x128xi32, #tpu.memory_space<vmem>> -> memref<4x128xi32, #tpu.memory_space<vmem>>
        %dma_start3A_598 = arith.constant 0 : i32
        %dma_start3A_599 = arith.constant 0 : i32
        %dma_start3A_600 = tpu.memref_slice %arg3[%arg1, %add3A_577, %dma_start3A_598, %dma_start3A_599] : memref<16x40x4x128xi32, #tpu.memory_space<hbm>> -> memref<1x1x4x128xi32, #tpu.memory_space<hbm>>
        %dma_start3A_601 = tpu.memref_squeeze %dma_start3A_600 : memref<1x1x4x128xi32, #tpu.memory_space<hbm>> -> memref<4x128xi32, #tpu.memory_space<hbm>>
        %dma_start3A_602 = arith.constant 0 : i32
        %dma_start3A_603 = arith.constant 0 : i32
        %dma_start3A_604 = tpu.memref_slice %arg8[%rem3A_360, %dma_start3A_602, %dma_start3A_603] : memref<3x4x128xi32, #tpu.memory_space<vmem>> -> memref<1x4x128xi32, #tpu.memory_space<vmem>>
        %dma_start3A_605 = tpu.memref_squeeze %dma_start3A_604 : memref<1x4x128xi32, #tpu.memory_space<vmem>> -> memref<4x128xi32, #tpu.memory_space<vmem>>
        %dma_start3A_606 = arith.constant 0 : i32
        %dma_start3A_607 = arith.constant 0 : i32
        %dma_start3A_608 = tpu.memref_slice %arg3[%arg1, %add3A_577, %dma_start3A_606, %dma_start3A_607] : memref<16x40x4x128xi32, #tpu.memory_space<hbm>> -> memref<1x1x4x128xi32, #tpu.memory_space<hbm>>
        %dma_start3A_609 = tpu.memref_squeeze %dma_start3A_608 : memref<1x1x4x128xi32, #tpu.memory_space<hbm>> -> memref<4x128xi32, #tpu.memory_space<hbm>>
        tpu.enqueue_dma source(%dma_start3A_609 : memref<4x128xi32, #tpu.memory_space<hbm>>) target(%dma_start3A_605 : memref<4x128xi32, #tpu.memory_space<vmem>>) target_semaphore(%arg15 : memref<!tpu.dma_semaphore, #tpu.memory_space<semaphore_mem>>)
        %dma_start3A_610 = arith.constant 0 : i32
        %dma_start3A_611 = tpu.memref_slice %arg9[%rem3A_360, %dma_start3A_610] : memref<3x512xf32, #tpu.memory_space<vmem>> -> memref<1x512xf32, #tpu.memory_space<vmem>>
        %dma_start3A_612 = tpu.memref_squeeze %dma_start3A_611 : memref<1x512xf32, #tpu.memory_space<vmem>> -> memref<512xf32, #tpu.memory_space<vmem>>
        %dma_start3A_613 = arith.constant 0 : i32
        %dma_start3A_614 = tpu.memref_slice %arg4[%arg1, %add3A_577, %dma_start3A_613] : memref<16x40x512xf32, #tpu.memory_space<hbm>> -> memref<1x1x512xf32, #tpu.memory_space<hbm>>
        %dma_start3A_615 = tpu.memref_squeeze %dma_start3A_614 : memref<1x1x512xf32, #tpu.memory_space<hbm>> -> memref<512xf32, #tpu.memory_space<hbm>>
        %dma_start3A_616 = arith.constant 0 : i32
        %dma_start3A_617 = tpu.memref_slice %arg9[%rem3A_360, %dma_start3A_616] : memref<3x512xf32, #tpu.memory_space<vmem>> -> memref<1x512xf32, #tpu.memory_space<vmem>>
        %dma_start3A_618 = tpu.memref_squeeze %dma_start3A_617 : memref<1x512xf32, #tpu.memory_space<vmem>> -> memref<512xf32, #tpu.memory_space<vmem>>
        %dma_start3A_619 = arith.constant 0 : i32
        %dma_start3A_620 = tpu.memref_slice %arg4[%arg1, %add3A_577, %dma_start3A_619] : memref<16x40x512xf32, #tpu.memory_space<hbm>> -> memref<1x1x512xf32, #tpu.memory_space<hbm>>
        %dma_start3A_621 = tpu.memref_squeeze %dma_start3A_620 : memref<1x1x512xf32, #tpu.memory_space<hbm>> -> memref<512xf32, #tpu.memory_space<hbm>>
        tpu.enqueue_dma source(%dma_start3A_621 : memref<512xf32, #tpu.memory_space<hbm>>) target(%dma_start3A_618 : memref<512xf32, #tpu.memory_space<vmem>>) target_semaphore(%arg15 : memref<!tpu.dma_semaphore, #tpu.memory_space<semaphore_mem>>)
      } else {
      }
      %add3A_509 = arith.constant 2 : i32
      %add3A_510 = arith.addi %add3A_474, %add3A_509 : i32
      %lt3A_511 = arith.constant 160 : i32
      %lt3A_512 = arith.cmpi slt, %add3A_510, %lt3A_511 : i32
      %convert_element_type3A_513 = arith.extui %lt3A_512 : i1 to i32
      %cond3A_514 = arith.constant 0 : i32
      %cond3A_515 = arith.cmpi ne, %convert_element_type3A_513, %cond3A_514 : i32
      scf.if %cond3A_515 {
        %dma_start3A_576 = arith.constant 0 : i32
        %dma_start3A_577 = arith.constant 0 : i32
        %dma_start3A_578 = arith.constant 0 : i32
        %dma_start3A_579 = arith.constant 0 : i32
        %dma_start3A_580 = tpu.memref_slice %arg10[%dma_start3A_577, %dma_start3A_578, %dma_start3A_579] : memref<4x128x64xf32, #tpu.memory_space<vmem>> -> memref<1x128x64xf32, #tpu.memory_space<vmem>>
        %dma_start3A_581 = tpu.memref_squeeze %dma_start3A_580 : memref<1x128x64xf32, #tpu.memory_space<vmem>> -> memref<128x64xf32, #tpu.memory_space<vmem>>
        %dma_start3A_582 = arith.constant 0 : i32
        %dma_start3A_583 = tpu.memref_slice %arg8[%rem3A_356, %dma_start3A_576, %dma_start3A_582] : memref<3x4x128xi32, #tpu.memory_space<vmem>> -> memref<1x1x128xi32, #tpu.memory_space<vmem>>
        %dma_start3A_584 = tpu.memref_squeeze %dma_start3A_583 : memref<1x1x128xi32, #tpu.memory_space<vmem>> -> memref<128xi32, #tpu.memory_space<vmem>>
        %dma_start3A_585 = arith.constant 0 : i32
        %dma_start3A_586 = arith.constant 0 : i32
        %dma_start3A_587 = tpu.memref_slice %arg11[%dma_start3A_585, %dma_start3A_586] : memref<10000x64xf32, #tpu.memory_space<vmem_shared>> -> memref<10000x64xf32, #tpu.memory_space<vmem_shared>>
        tpu.enqueue_indirect_dma source(%dma_start3A_587 : memref<10000x64xf32, #tpu.memory_space<vmem_shared>>) target(%dma_start3A_581 : memref<128x64xf32, #tpu.memory_space<vmem>>) offsets(%dma_start3A_584 : memref<128xi32, #tpu.memory_space<vmem>>) semaphore(%arg13 : memref<!tpu.dma_semaphore, #tpu.memory_space<semaphore_mem>>)
      } else {
      }
      %dma_start3A_516 = arith.constant 2 : i32
      %dma_start3A_517 = arith.constant 2 : i32
      %dma_start3A_518 = arith.constant 0 : i32
      %dma_start3A_519 = arith.constant 0 : i32
      %dma_start3A_520 = tpu.memref_slice %arg10[%dma_start3A_516, %dma_start3A_518, %dma_start3A_519] : memref<4x128x64xf32, #tpu.memory_space<vmem>> -> memref<1x128x64xf32, #tpu.memory_space<vmem>>
      %dma_start3A_521 = tpu.memref_squeeze %dma_start3A_520 : memref<1x128x64xf32, #tpu.memory_space<vmem>> -> memref<128x64xf32, #tpu.memory_space<vmem>>
      %dma_start3A_522 = arith.constant 0 : i32
      %dma_start3A_523 = tpu.memref_slice %arg7[%rem3A_352, %dma_start3A_517, %dma_start3A_522] : memref<3x4x128xi32, #tpu.memory_space<vmem>> -> memref<1x1x128xi32, #tpu.memory_space<vmem>>
      %dma_start3A_524 = tpu.memref_squeeze %dma_start3A_523 : memref<1x1x128xi32, #tpu.memory_space<vmem>> -> memref<128xi32, #tpu.memory_space<vmem>>
      %dma_start3A_525 = arith.constant 0 : i32
      %dma_start3A_526 = arith.constant 0 : i32
      %dma_start3A_527 = tpu.memref_slice %arg12[%dma_start3A_525, %dma_start3A_526] : memref<10000x64xf32, #tpu.memory_space<vmem_shared>> -> memref<10000x64xf32, #tpu.memory_space<vmem_shared>>
      tpu.enqueue_indirect_dma source(%dma_start3A_521 : memref<128x64xf32, #tpu.memory_space<vmem>>) target(%dma_start3A_527 : memref<10000x64xf32, #tpu.memory_space<vmem_shared>>) offsets(%dma_start3A_524 : memref<128xi32, #tpu.memory_space<vmem>>) semaphore(%arg14 : memref<!tpu.dma_semaphore, #tpu.memory_space<semaphore_mem>>) {add = true}
      %mul3A_528 = arith.constant 4 : i32
      %mul3A_529 = arith.muli %scan3A_349, %mul3A_528 : i32
      %add3A_530 = arith.constant 3 : i32
      %add3A_531 = arith.addi %mul3A_529, %add3A_530 : i32
      %dma_wait3A_532 = arith.constant 3 : i32
      %dma_wait3A_533 = arith.constant 3 : i32
      %dma_wait3A_534 = arith.constant 0 : i32
      %dma_wait3A_535 = arith.constant 0 : i32
      %dma_wait3A_536 = tpu.memref_slice %arg10[%dma_wait3A_533, %dma_wait3A_534, %dma_wait3A_535] : memref<4x128x64xf32, #tpu.memory_space<vmem>> -> memref<1x128x64xf32, #tpu.memory_space<vmem>>
      %dma_wait3A_537 = tpu.memref_squeeze %dma_wait3A_536 : memref<1x128x64xf32, #tpu.memory_space<vmem>> -> memref<128x64xf32, #tpu.memory_space<vmem>>
      %dma_wait3A_538 = arith.constant 0 : i32
      %dma_wait3A_539 = tpu.memref_slice %arg8[%rem3A_352, %dma_wait3A_532, %dma_wait3A_538] : memref<3x4x128xi32, #tpu.memory_space<vmem>> -> memref<1x1x128xi32, #tpu.memory_space<vmem>>
      %dma_wait3A_540 = tpu.memref_squeeze %dma_wait3A_539 : memref<1x1x128xi32, #tpu.memory_space<vmem>> -> memref<128xi32, #tpu.memory_space<vmem>>
      %dma_wait3A_541 = arith.constant 0 : i32
      %dma_wait3A_542 = arith.constant 0 : i32
      %dma_wait3A_543 = tpu.memref_slice %arg11[%dma_wait3A_541, %dma_wait3A_542] : memref<10000x64xf32, #tpu.memory_space<vmem_shared>> -> memref<10000x64xf32, #tpu.memory_space<vmem_shared>>
      tpu.wait_indirect_dma semaphore(%arg13 : memref<!tpu.dma_semaphore, #tpu.memory_space<semaphore_mem>>) src(%dma_wait3A_543 : memref<10000x64xf32, #tpu.memory_space<vmem_shared>>) dst(%dma_wait3A_537 : memref<128x64xf32, #tpu.memory_space<vmem>>)
      %scan3A_544 = arith.constant 0 : i32
      %scan3A_545 = arith.constant 0 : i32
      %scan3A_546 = arith.constant 128 : i32
      %scan3A_547 = arith.addi %scan3A_545, %scan3A_546 : i32
      %scan3A_548 = arith.constant 2 : i32
      %scan3A_549 = scf.for %scan3A_576 = %scan3A_545 to %scan3A_547 step %scan3A_548 iter_args(%scan3A_577 = %scan3A_544) -> (i32)  : i32 {
        %broadcast_in_dim3A_578 = vector.broadcast %rem3A_352 : i32 to vector<16xi32>
        %add3A_579 = arith.constant 384 : i32
        %add3A_580 = arith.addi %add3A_579, %scan3A_576 : i32
        %broadcast_in_dim3A_581 = vector.broadcast %add3A_580 : i32 to vector<16xi32>
        %gather3A = tpu.vector_load_idx %arg9[%broadcast_in_dim3A_578, %broadcast_in_dim3A_581] : memref<3x512xf32, #tpu.memory_space<vmem>>[vector<16xi32>, vector<16xi32>], vector<16xf32>,
        %get3A = arith.constant 3 : i32
        %get3A_582 = arith.index_cast %get3A : i32 to index
        %get3A_583 = arith.index_cast %scan3A_576 : i32 to index
        %get3A_584 = arith.constant 0 : index
        %get3A_585 = tpu.vector_load %arg10[%get3A_582, %get3A_583, %get3A_584] {strides = array<i32>} : memref<4x128x64xf32, #tpu.memory_space<vmem>>, vector<16xf32>,
        %mul3A_586 = arith.mulf %get3A_585, %gather3A : vector<16xf32>
        %swap3A = arith.constant 3 : i32
        %swap3A_587 = arith.index_cast %swap3A : i32 to index
        %swap3A_588 = arith.index_cast %scan3A_576 : i32 to index
        %swap3A_589 = arith.constant 0 : index
        %swap3A_590 = tpu.vector_load %arg10[%swap3A_587, %swap3A_588, %swap3A_589] {strides = array<i32>} : memref<4x128x64xf32, #tpu.memory_space<vmem>>, vector<16xf32>,
        tpu.vector_store %arg10[%swap3A_587, %swap3A_588, %swap3A_589], %mul3A_586 {strides = array<i32>} : memref<4x128x64xf32, #tpu.memory_space<vmem>>, vector<16xf32>,
        %get3A_591 = arith.constant 3 : i32
        %get3A_592 = arith.index_cast %get3A_591 : i32 to index
        %get3A_593 = arith.index_cast %scan3A_576 : i32 to index
        %get3A_594 = arith.constant 16 : index
        %get3A_595 = tpu.vector_load %arg10[%get3A_592, %get3A_593, %get3A_594] {strides = array<i32>} : memref<4x128x64xf32, #tpu.memory_space<vmem>>, vector<16xf32>,
        %mul3A_596 = arith.mulf %get3A_595, %gather3A : vector<16xf32>
        %swap3A_597 = arith.constant 3 : i32
        %swap3A_598 = arith.index_cast %swap3A_597 : i32 to index
        %swap3A_599 = arith.index_cast %scan3A_576 : i32 to index
        %swap3A_600 = arith.constant 16 : index
        %swap3A_601 = tpu.vector_load %arg10[%swap3A_598, %swap3A_599, %swap3A_600] {strides = array<i32>} : memref<4x128x64xf32, #tpu.memory_space<vmem>>, vector<16xf32>,
        tpu.vector_store %arg10[%swap3A_598, %swap3A_599, %swap3A_600], %mul3A_596 {strides = array<i32>} : memref<4x128x64xf32, #tpu.memory_space<vmem>>, vector<16xf32>,
        %get3A_602 = arith.constant 3 : i32
        %get3A_603 = arith.index_cast %get3A_602 : i32 to index
        %get3A_604 = arith.index_cast %scan3A_576 : i32 to index
        %get3A_605 = arith.constant 32 : index
        %get3A_606 = tpu.vector_load %arg10[%get3A_603, %get3A_604, %get3A_605] {strides = array<i32>} : memref<4x128x64xf32, #tpu.memory_space<vmem>>, vector<16xf32>,
        %mul3A_607 = arith.mulf %get3A_606, %gather3A : vector<16xf32>
        %swap3A_608 = arith.constant 3 : i32
        %swap3A_609 = arith.index_cast %swap3A_608 : i32 to index
        %swap3A_610 = arith.index_cast %scan3A_576 : i32 to index
        %swap3A_611 = arith.constant 32 : index
        %swap3A_612 = tpu.vector_load %arg10[%swap3A_609, %swap3A_610, %swap3A_611] {strides = array<i32>} : memref<4x128x64xf32, #tpu.memory_space<vmem>>, vector<16xf32>,
        tpu.vector_store %arg10[%swap3A_609, %swap3A_610, %swap3A_611], %mul3A_607 {strides = array<i32>} : memref<4x128x64xf32, #tpu.memory_space<vmem>>, vector<16xf32>,
        %get3A_613 = arith.constant 3 : i32
        %get3A_614 = arith.index_cast %get3A_613 : i32 to index
        %get3A_615 = arith.index_cast %scan3A_576 : i32 to index
        %get3A_616 = arith.constant 48 : index
        %get3A_617 = tpu.vector_load %arg10[%get3A_614, %get3A_615, %get3A_616] {strides = array<i32>} : memref<4x128x64xf32, #tpu.memory_space<vmem>>, vector<16xf32>,
        %mul3A_618 = arith.mulf %get3A_617, %gather3A : vector<16xf32>
        %swap3A_619 = arith.constant 3 : i32
        %swap3A_620 = arith.index_cast %swap3A_619 : i32 to index
        %swap3A_621 = arith.index_cast %scan3A_576 : i32 to index
        %swap3A_622 = arith.constant 48 : index
        %swap3A_623 = tpu.vector_load %arg10[%swap3A_620, %swap3A_621, %swap3A_622] {strides = array<i32>} : memref<4x128x64xf32, #tpu.memory_space<vmem>>, vector<16xf32>,
        tpu.vector_store %arg10[%swap3A_620, %swap3A_621, %swap3A_622], %mul3A_618 {strides = array<i32>} : memref<4x128x64xf32, #tpu.memory_space<vmem>>, vector<16xf32>,
        %scan3A_624 = arith.constant 0 : i32
        %scan3A_625 = arith.constant 1 : i32
        %scan3A_626 = arith.addi %scan3A_576, %scan3A_625 : i32
        %broadcast_in_dim3A_627 = vector.broadcast %rem3A_352 : i32 to vector<16xi32>
        %add3A_628 = arith.constant 384 : i32
        %add3A_629 = arith.addi %add3A_628, %scan3A_626 : i32
        %broadcast_in_dim3A_630 = vector.broadcast %add3A_629 : i32 to vector<16xi32>
        %gather3A_631 = tpu.vector_load_idx %arg9[%broadcast_in_dim3A_627, %broadcast_in_dim3A_630] : memref<3x512xf32, #tpu.memory_space<vmem>>[vector<16xi32>, vector<16xi32>], vector<16xf32>,
        %get3A_632 = arith.constant 3 : i32
        %get3A_633 = arith.index_cast %get3A_632 : i32 to index
        %get3A_634 = arith.index_cast %scan3A_626 : i32 to index
        %get3A_635 = arith.constant 0 : index
        %get3A_636 = tpu.vector_load %arg10[%get3A_633, %get3A_634, %get3A_635] {strides = array<i32>} : memref<4x128x64xf32, #tpu.memory_space<vmem>>, vector<16xf32>,
        %mul3A_637 = arith.mulf %get3A_636, %gather3A_631 : vector<16xf32>
        %swap3A_638 = arith.constant 3 : i32
        %swap3A_639 = arith.index_cast %swap3A_638 : i32 to index
        %swap3A_640 = arith.index_cast %scan3A_626 : i32 to index
        %swap3A_641 = arith.constant 0 : index
        %swap3A_642 = tpu.vector_load %arg10[%swap3A_639, %swap3A_640, %swap3A_641] {strides = array<i32>} : memref<4x128x64xf32, #tpu.memory_space<vmem>>, vector<16xf32>,
        tpu.vector_store %arg10[%swap3A_639, %swap3A_640, %swap3A_641], %mul3A_637 {strides = array<i32>} : memref<4x128x64xf32, #tpu.memory_space<vmem>>, vector<16xf32>,
        %get3A_643 = arith.constant 3 : i32
        %get3A_644 = arith.index_cast %get3A_643 : i32 to index
        %get3A_645 = arith.index_cast %scan3A_626 : i32 to index
        %get3A_646 = arith.constant 16 : index
        %get3A_647 = tpu.vector_load %arg10[%get3A_644, %get3A_645, %get3A_646] {strides = array<i32>} : memref<4x128x64xf32, #tpu.memory_space<vmem>>, vector<16xf32>,
        %mul3A_648 = arith.mulf %get3A_647, %gather3A_631 : vector<16xf32>
        %swap3A_649 = arith.constant 3 : i32
        %swap3A_650 = arith.index_cast %swap3A_649 : i32 to index
        %swap3A_651 = arith.index_cast %scan3A_626 : i32 to index
        %swap3A_652 = arith.constant 16 : index
        %swap3A_653 = tpu.vector_load %arg10[%swap3A_650, %swap3A_651, %swap3A_652] {strides = array<i32>} : memref<4x128x64xf32, #tpu.memory_space<vmem>>, vector<16xf32>,
        tpu.vector_store %arg10[%swap3A_650, %swap3A_651, %swap3A_652], %mul3A_648 {strides = array<i32>} : memref<4x128x64xf32, #tpu.memory_space<vmem>>, vector<16xf32>,
        %get3A_654 = arith.constant 3 : i32
        %get3A_655 = arith.index_cast %get3A_654 : i32 to index
        %get3A_656 = arith.index_cast %scan3A_626 : i32 to index
        %get3A_657 = arith.constant 32 : index
        %get3A_658 = tpu.vector_load %arg10[%get3A_655, %get3A_656, %get3A_657] {strides = array<i32>} : memref<4x128x64xf32, #tpu.memory_space<vmem>>, vector<16xf32>,
        %mul3A_659 = arith.mulf %get3A_658, %gather3A_631 : vector<16xf32>
        %swap3A_660 = arith.constant 3 : i32
        %swap3A_661 = arith.index_cast %swap3A_660 : i32 to index
        %swap3A_662 = arith.index_cast %scan3A_626 : i32 to index
        %swap3A_663 = arith.constant 32 : index
        %swap3A_664 = tpu.vector_load %arg10[%swap3A_661, %swap3A_662, %swap3A_663] {strides = array<i32>} : memref<4x128x64xf32, #tpu.memory_space<vmem>>, vector<16xf32>,
        tpu.vector_store %arg10[%swap3A_661, %swap3A_662, %swap3A_663], %mul3A_659 {strides = array<i32>} : memref<4x128x64xf32, #tpu.memory_space<vmem>>, vector<16xf32>,
        %get3A_665 = arith.constant 3 : i32
        %get3A_666 = arith.index_cast %get3A_665 : i32 to index
        %get3A_667 = arith.index_cast %scan3A_626 : i32 to index
        %get3A_668 = arith.constant 48 : index
        %get3A_669 = tpu.vector_load %arg10[%get3A_666, %get3A_667, %get3A_668] {strides = array<i32>} : memref<4x128x64xf32, #tpu.memory_space<vmem>>, vector<16xf32>,
        %mul3A_670 = arith.mulf %get3A_669, %gather3A_631 : vector<16xf32>
        %swap3A_671 = arith.constant 3 : i32
        %swap3A_672 = arith.index_cast %swap3A_671 : i32 to index
        %swap3A_673 = arith.index_cast %scan3A_626 : i32 to index
        %swap3A_674 = arith.constant 48 : index
        %swap3A_675 = tpu.vector_load %arg10[%swap3A_672, %swap3A_673, %swap3A_674] {strides = array<i32>} : memref<4x128x64xf32, #tpu.memory_space<vmem>>, vector<16xf32>,
        tpu.vector_store %arg10[%swap3A_672, %swap3A_673, %swap3A_674], %mul3A_670 {strides = array<i32>} : memref<4x128x64xf32, #tpu.memory_space<vmem>>, vector<16xf32>,
        %scan3A_676 = arith.constant 0 : i32
        scf.yield %scan3A_676 : i32
      }
      %scan3A_550 = arith.constant 128 : i32
      %ge3A_551 = arith.constant 2 : i32
      %ge3A_552 = arith.cmpi sge, %add3A_531, %ge3A_551 : i32
      %convert_element_type3A_553 = arith.extui %ge3A_552 : i1 to i32
      %cond3A_554 = arith.constant 0 : i32
      %cond3A_555 = arith.cmpi ne, %convert_element_type3A_553, %cond3A_554 : i32
      scf.if %cond3A_555 {
        %dma_wait3A_576 = arith.constant 1 : i32
        %dma_wait3A_577 = arith.constant 1 : i32
        %dma_wait3A_578 = arith.constant 0 : i32
        %dma_wait3A_579 = arith.constant 0 : i32
        %dma_wait3A_580 = tpu.memref_slice %arg10[%dma_wait3A_576, %dma_wait3A_578, %dma_wait3A_579] : memref<4x128x64xf32, #tpu.memory_space<vmem>> -> memref<1x128x64xf32, #tpu.memory_space<vmem>>
        %dma_wait3A_581 = tpu.memref_squeeze %dma_wait3A_580 : memref<1x128x64xf32, #tpu.memory_space<vmem>> -> memref<128x64xf32, #tpu.memory_space<vmem>>
        %dma_wait3A_582 = arith.constant 0 : i32
        %dma_wait3A_583 = tpu.memref_slice %arg7[%rem3A_352, %dma_wait3A_577, %dma_wait3A_582] : memref<3x4x128xi32, #tpu.memory_space<vmem>> -> memref<1x1x128xi32, #tpu.memory_space<vmem>>
        %dma_wait3A_584 = tpu.memref_squeeze %dma_wait3A_583 : memref<1x1x128xi32, #tpu.memory_space<vmem>> -> memref<128xi32, #tpu.memory_space<vmem>>
        %dma_wait3A_585 = arith.constant 0 : i32
        %dma_wait3A_586 = arith.constant 0 : i32
        %dma_wait3A_587 = tpu.memref_slice %arg12[%dma_wait3A_585, %dma_wait3A_586] : memref<10000x64xf32, #tpu.memory_space<vmem_shared>> -> memref<10000x64xf32, #tpu.memory_space<vmem_shared>>
        tpu.wait_indirect_dma semaphore(%arg14 : memref<!tpu.dma_semaphore, #tpu.memory_space<semaphore_mem>>) src(%dma_wait3A_581 : memref<128x64xf32, #tpu.memory_space<vmem>>) dst(%dma_wait3A_587 : memref<10000x64xf32, #tpu.memory_space<vmem_shared>>)
      } else {
      }
      %add3A_556 = arith.constant 2 : i32
      %add3A_557 = arith.addi %add3A_531, %add3A_556 : i32
      %lt3A_558 = arith.constant 160 : i32
      %lt3A_559 = arith.cmpi slt, %add3A_557, %lt3A_558 : i32
      %convert_element_type3A_560 = arith.extui %lt3A_559 : i1 to i32
      %cond3A_561 = arith.constant 0 : i32
      %cond3A_562 = arith.cmpi ne, %convert_element_type3A_560, %cond3A_561 : i32
      scf.if %cond3A_562 {
        %dma_start3A_576 = arith.constant 1 : i32
        %dma_start3A_577 = arith.constant 1 : i32
        %dma_start3A_578 = arith.constant 0 : i32
        %dma_start3A_579 = arith.constant 0 : i32
        %dma_start3A_580 = tpu.memref_slice %arg10[%dma_start3A_577, %dma_start3A_578, %dma_start3A_579] : memref<4x128x64xf32, #tpu.memory_space<vmem>> -> memref<1x128x64xf32, #tpu.memory_space<vmem>>
        %dma_start3A_581 = tpu.memref_squeeze %dma_start3A_580 : memref<1x128x64xf32, #tpu.memory_space<vmem>> -> memref<128x64xf32, #tpu.memory_space<vmem>>
        %dma_start3A_582 = arith.constant 0 : i32
        %dma_start3A_583 = tpu.memref_slice %arg8[%rem3A_356, %dma_start3A_576, %dma_start3A_582] : memref<3x4x128xi32, #tpu.memory_space<vmem>> -> memref<1x1x128xi32, #tpu.memory_space<vmem>>
        %dma_start3A_584 = tpu.memref_squeeze %dma_start3A_583 : memref<1x1x128xi32, #tpu.memory_space<vmem>> -> memref<128xi32, #tpu.memory_space<vmem>>
        %dma_start3A_585 = arith.constant 0 : i32
        %dma_start3A_586 = arith.constant 0 : i32
        %dma_start3A_587 = tpu.memref_slice %arg11[%dma_start3A_585, %dma_start3A_586] : memref<10000x64xf32, #tpu.memory_space<vmem_shared>> -> memref<10000x64xf32, #tpu.memory_space<vmem_shared>>
        tpu.enqueue_indirect_dma source(%dma_start3A_587 : memref<10000x64xf32, #tpu.memory_space<vmem_shared>>) target(%dma_start3A_581 : memref<128x64xf32, #tpu.memory_space<vmem>>) offsets(%dma_start3A_584 : memref<128xi32, #tpu.memory_space<vmem>>) semaphore(%arg13 : memref<!tpu.dma_semaphore, #tpu.memory_space<semaphore_mem>>)
      } else {
      }
      %dma_start3A_563 = arith.constant 3 : i32
      %dma_start3A_564 = arith.constant 3 : i32
      %dma_start3A_565 = arith.constant 0 : i32
      %dma_start3A_566 = arith.constant 0 : i32
      %dma_start3A_567 = tpu.memref_slice %arg10[%dma_start3A_563, %dma_start3A_565, %dma_start3A_566] : memref<4x128x64xf32, #tpu.memory_space<vmem>> -> memref<1x128x64xf32, #tpu.memory_space<vmem>>
      %dma_start3A_568 = tpu.memref_squeeze %dma_start3A_567 : memref<1x128x64xf32, #tpu.memory_space<vmem>> -> memref<128x64xf32, #tpu.memory_space<vmem>>
      %dma_start3A_569 = arith.constant 0 : i32
      %dma_start3A_570 = tpu.memref_slice %arg7[%rem3A_352, %dma_start3A_564, %dma_start3A_569] : memref<3x4x128xi32, #tpu.memory_space<vmem>> -> memref<1x1x128xi32, #tpu.memory_space<vmem>>
      %dma_start3A_571 = tpu.memref_squeeze %dma_start3A_570 : memref<1x1x128xi32, #tpu.memory_space<vmem>> -> memref<128xi32, #tpu.memory_space<vmem>>
      %dma_start3A_572 = arith.constant 0 : i32
      %dma_start3A_573 = arith.constant 0 : i32
      %dma_start3A_574 = tpu.memref_slice %arg12[%dma_start3A_572, %dma_start3A_573] : memref<10000x64xf32, #tpu.memory_space<vmem_shared>> -> memref<10000x64xf32, #tpu.memory_space<vmem_shared>>
      tpu.enqueue_indirect_dma source(%dma_start3A_568 : memref<128x64xf32, #tpu.memory_space<vmem>>) target(%dma_start3A_574 : memref<10000x64xf32, #tpu.memory_space<vmem_shared>>) offsets(%dma_start3A_571 : memref<128xi32, #tpu.memory_space<vmem>>) semaphore(%arg14 : memref<!tpu.dma_semaphore, #tpu.memory_space<semaphore_mem>>) {add = true}
      %scan3A_575 = arith.constant 0 : i32
      scf.yield %scan3A_575 : i32
    }
    %scan3A_301 = arith.constant 40 : i32
    %rem3A = arith.constant 39 : i32
    %rem3A_302 = arith.constant 3 : i32
    %rem3A_303 = arith.remsi %rem3A, %rem3A_302 : i32
    %dma_wait3A_304 = arith.constant 2 : i32
    %dma_wait3A_305 = arith.constant 2 : i32
    %dma_wait3A_306 = arith.constant 0 : i32
    %dma_wait3A_307 = arith.constant 0 : i32
    %dma_wait3A_308 = tpu.memref_slice %arg10[%dma_wait3A_304, %dma_wait3A_306, %dma_wait3A_307] : memref<4x128x64xf32, #tpu.memory_space<vmem>> -> memref<1x128x64xf32, #tpu.memory_space<vmem>>
    %dma_wait3A_309 = tpu.memref_squeeze %dma_wait3A_308 : memref<1x128x64xf32, #tpu.memory_space<vmem>> -> memref<128x64xf32, #tpu.memory_space<vmem>>
    %dma_wait3A_310 = arith.constant 0 : i32
    %dma_wait3A_311 = tpu.memref_slice %arg7[%rem3A_303, %dma_wait3A_305, %dma_wait3A_310] : memref<3x4x128xi32, #tpu.memory_space<vmem>> -> memref<1x1x128xi32, #tpu.memory_space<vmem>>
    %dma_wait3A_312 = tpu.memref_squeeze %dma_wait3A_311 : memref<1x1x128xi32, #tpu.memory_space<vmem>> -> memref<128xi32, #tpu.memory_space<vmem>>
    %dma_wait3A_313 = arith.constant 0 : i32
    %dma_wait3A_314 = arith.constant 0 : i32
    %dma_wait3A_315 = tpu.memref_slice %arg12[%dma_wait3A_313, %dma_wait3A_314] : memref<10000x64xf32, #tpu.memory_space<vmem_shared>> -> memref<10000x64xf32, #tpu.memory_space<vmem_shared>>
    tpu.wait_indirect_dma semaphore(%arg14 : memref<!tpu.dma_semaphore, #tpu.memory_space<semaphore_mem>>) src(%dma_wait3A_309 : memref<128x64xf32, #tpu.memory_space<vmem>>) dst(%dma_wait3A_315 : memref<10000x64xf32, #tpu.memory_space<vmem_shared>>)
    %dma_wait3A_316 = arith.constant 3 : i32
    %dma_wait3A_317 = arith.constant 3 : i32
    %dma_wait3A_318 = arith.constant 0 : i32
    %dma_wait3A_319 = arith.constant 0 : i32
    %dma_wait3A_320 = tpu.memref_slice %arg10[%dma_wait3A_316, %dma_wait3A_318, %dma_wait3A_319] : memref<4x128x64xf32, #tpu.memory_space<vmem>> -> memref<1x128x64xf32, #tpu.memory_space<vmem>>
    %dma_wait3A_321 = tpu.memref_squeeze %dma_wait3A_320 : memref<1x128x64xf32, #tpu.memory_space<vmem>> -> memref<128x64xf32, #tpu.memory_space<vmem>>
    %dma_wait3A_322 = arith.constant 0 : i32
    %dma_wait3A_323 = tpu.memref_slice %arg7[%rem3A_303, %dma_wait3A_317, %dma_wait3A_322] : memref<3x4x128xi32, #tpu.memory_space<vmem>> -> memref<1x1x128xi32, #tpu.memory_space<vmem>>
    %dma_wait3A_324 = tpu.memref_squeeze %dma_wait3A_323 : memref<1x1x128xi32, #tpu.memory_space<vmem>> -> memref<128xi32, #tpu.memory_space<vmem>>
    %dma_wait3A_325 = arith.constant 0 : i32
    %dma_wait3A_326 = arith.constant 0 : i32
    %dma_wait3A_327 = tpu.memref_slice %arg12[%dma_wait3A_325, %dma_wait3A_326] : memref<10000x64xf32, #tpu.memory_space<vmem_shared>> -> memref<10000x64xf32, #tpu.memory_space<vmem_shared>>
    tpu.wait_indirect_dma semaphore(%arg14 : memref<!tpu.dma_semaphore, #tpu.memory_space<semaphore_mem>>) src(%dma_wait3A_321 : memref<128x64xf32, #tpu.memory_space<vmem>>) dst(%dma_wait3A_327 : memref<10000x64xf32, #tpu.memory_space<vmem_shared>>)
    %barrier3A_328 = arith.constant 0 : index
    tpu.barrier barrier_id(%barrier3A_328)
    %add3A_329 = arith.constant 0 : i32
    %add3A_330 = arith.addi %mul3A_0, %add3A_329 : i32
    %mul3A_331 = arith.constant 64 : i32
    %mul3A_332 = arith.muli %arg0, %mul3A_331 : i32
    "tpu.region"() ({
      %run_scoped3A_349 = tpu.sem_alloc : memref<!tpu.dma_semaphore, #tpu.memory_space<semaphore_mem>>
      %dma_start3A_350 = tpu.memref_slice %arg6[%add3A_330, %mul3A_332] : memref<10000x128xf32, #tpu.memory_space<hbm>> -> memref<125x64xf32, #tpu.memory_space<hbm>>
      %dma_start3A_351 = arith.constant 0 : i32
      %dma_start3A_352 = tpu.memref_slice %arg12[%add3A_330, %dma_start3A_351] : memref<10000x64xf32, #tpu.memory_space<vmem_shared>> -> memref<125x64xf32, #tpu.memory_space<vmem_shared>>
      tpu.enqueue_dma source(%dma_start3A_352 : memref<125x64xf32, #tpu.memory_space<vmem_shared>>) target(%dma_start3A_350 : memref<125x64xf32, #tpu.memory_space<hbm>>) target_semaphore(%run_scoped3A_349 : memref<!tpu.dma_semaphore, #tpu.memory_space<semaphore_mem>>)
      %dma_wait3A_353 = tpu.memref_slice %arg6[%add3A_330, %mul3A_332] : memref<10000x128xf32, #tpu.memory_space<hbm>> -> memref<125x64xf32, #tpu.memory_space<hbm>>
      %dma_wait3A_354 = arith.constant 0 : i32
      %dma_wait3A_355 = tpu.memref_slice %arg12[%add3A_330, %dma_wait3A_354] : memref<10000x64xf32, #tpu.memory_space<vmem_shared>> -> memref<125x64xf32, #tpu.memory_space<vmem_shared>>
      tpu.wait_dma2 semaphore(%run_scoped3A_349 : memref<!tpu.dma_semaphore, #tpu.memory_space<semaphore_mem>>) src(%dma_wait3A_355 : memref<125x64xf32, #tpu.memory_space<vmem_shared>>) dst(%dma_wait3A_353 : memref<125x64xf32, #tpu.memory_space<hbm>>)
      tpu.yield
    }) : () -> ()
    %add3A_333 = arith.constant 125 : i32
    %add3A_334 = arith.addi %mul3A_0, %add3A_333 : i32
    %mul3A_335 = arith.constant 64 : i32
    %mul3A_336 = arith.muli %arg0, %mul3A_335 : i32
    "tpu.region"() ({
      %run_scoped3A_349 = tpu.sem_alloc : memref<!tpu.dma_semaphore, #tpu.memory_space<semaphore_mem>>
      %dma_start3A_350 = tpu.memref_slice %arg6[%add3A_334, %mul3A_336] : memref<10000x128xf32, #tpu.memory_space<hbm>> -> memref<125x64xf32, #tpu.memory_space<hbm>>
      %dma_start3A_351 = arith.constant 0 : i32
      %dma_start3A_352 = tpu.memref_slice %arg12[%add3A_334, %dma_start3A_351] : memref<10000x64xf32, #tpu.memory_space<vmem_shared>> -> memref<125x64xf32, #tpu.memory_space<vmem_shared>>
      tpu.enqueue_dma source(%dma_start3A_352 : memref<125x64xf32, #tpu.memory_space<vmem_shared>>) target(%dma_start3A_350 : memref<125x64xf32, #tpu.memory_space<hbm>>) target_semaphore(%run_scoped3A_349 : memref<!tpu.dma_semaphore, #tpu.memory_space<semaphore_mem>>)
      %dma_wait3A_353 = tpu.memref_slice %arg6[%add3A_334, %mul3A_336] : memref<10000x128xf32, #tpu.memory_space<hbm>> -> memref<125x64xf32, #tpu.memory_space<hbm>>
      %dma_wait3A_354 = arith.constant 0 : i32
      %dma_wait3A_355 = tpu.memref_slice %arg12[%add3A_334, %dma_wait3A_354] : memref<10000x64xf32, #tpu.memory_space<vmem_shared>> -> memref<125x64xf32, #tpu.memory_space<vmem_shared>>
      tpu.wait_dma2 semaphore(%run_scoped3A_349 : memref<!tpu.dma_semaphore, #tpu.memory_space<semaphore_mem>>) src(%dma_wait3A_355 : memref<125x64xf32, #tpu.memory_space<vmem_shared>>) dst(%dma_wait3A_353 : memref<125x64xf32, #tpu.memory_space<hbm>>)
      tpu.yield
    }) : () -> ()
    %add3A_337 = arith.constant 250 : i32
    %add3A_338 = arith.addi %mul3A_0, %add3A_337 : i32
    %mul3A_339 = arith.constant 64 : i32
    %mul3A_340 = arith.muli %arg0, %mul3A_339 : i32
    "tpu.region"() ({
      %run_scoped3A_349 = tpu.sem_alloc : memref<!tpu.dma_semaphore, #tpu.memory_space<semaphore_mem>>
      %dma_start3A_350 = tpu.memref_slice %arg6[%add3A_338, %mul3A_340] : memref<10000x128xf32, #tpu.memory_space<hbm>> -> memref<125x64xf32, #tpu.memory_space<hbm>>
      %dma_start3A_351 = arith.constant 0 : i32
      %dma_start3A_352 = tpu.memref_slice %arg12[%add3A_338, %dma_start3A_351] : memref<10000x64xf32, #tpu.memory_space<vmem_shared>> -> memref<125x64xf32, #tpu.memory_space<vmem_shared>>
      tpu.enqueue_dma source(%dma_start3A_352 : memref<125x64xf32, #tpu.memory_space<vmem_shared>>) target(%dma_start3A_350 : memref<125x64xf32, #tpu.memory_space<hbm>>) target_semaphore(%run_scoped3A_349 : memref<!tpu.dma_semaphore, #tpu.memory_space<semaphore_mem>>)
      %dma_wait3A_353 = tpu.memref_slice %arg6[%add3A_338, %mul3A_340] : memref<10000x128xf32, #tpu.memory_space<hbm>> -> memref<125x64xf32, #tpu.memory_space<hbm>>
      %dma_wait3A_354 = arith.constant 0 : i32
      %dma_wait3A_355 = tpu.memref_slice %arg12[%add3A_338, %dma_wait3A_354] : memref<10000x64xf32, #tpu.memory_space<vmem_shared>> -> memref<125x64xf32, #tpu.memory_space<vmem_shared>>
      tpu.wait_dma2 semaphore(%run_scoped3A_349 : memref<!tpu.dma_semaphore, #tpu.memory_space<semaphore_mem>>) src(%dma_wait3A_355 : memref<125x64xf32, #tpu.memory_space<vmem_shared>>) dst(%dma_wait3A_353 : memref<125x64xf32, #tpu.memory_space<hbm>>)
      tpu.yield
    }) : () -> ()
    %add3A_341 = arith.constant 375 : i32
    %add3A_342 = arith.addi %mul3A_0, %add3A_341 : i32
    %mul3A_343 = arith.constant 64 : i32
    %mul3A_344 = arith.muli %arg0, %mul3A_343 : i32
    "tpu.region"() ({
      %run_scoped3A_349 = tpu.sem_alloc : memref<!tpu.dma_semaphore, #tpu.memory_space<semaphore_mem>>
      %dma_start3A_350 = tpu.memref_slice %arg6[%add3A_342, %mul3A_344] : memref<10000x128xf32, #tpu.memory_space<hbm>> -> memref<125x64xf32, #tpu.memory_space<hbm>>
      %dma_start3A_351 = arith.constant 0 : i32
      %dma_start3A_352 = tpu.memref_slice %arg12[%add3A_342, %dma_start3A_351] : memref<10000x64xf32, #tpu.memory_space<vmem_shared>> -> memref<125x64xf32, #tpu.memory_space<vmem_shared>>
      tpu.enqueue_dma source(%dma_start3A_352 : memref<125x64xf32, #tpu.memory_space<vmem_shared>>) target(%dma_start3A_350 : memref<125x64xf32, #tpu.memory_space<hbm>>) target_semaphore(%run_scoped3A_349 : memref<!tpu.dma_semaphore, #tpu.memory_space<semaphore_mem>>)
      %dma_wait3A_353 = tpu.memref_slice %arg6[%add3A_342, %mul3A_344] : memref<10000x128xf32, #tpu.memory_space<hbm>> -> memref<125x64xf32, #tpu.memory_space<hbm>>
      %dma_wait3A_354 = arith.constant 0 : i32
      %dma_wait3A_355 = tpu.memref_slice %arg12[%add3A_342, %dma_wait3A_354] : memref<10000x64xf32, #tpu.memory_space<vmem_shared>> -> memref<125x64xf32, #tpu.memory_space<vmem_shared>>
      tpu.wait_dma2 semaphore(%run_scoped3A_349 : memref<!tpu.dma_semaphore, #tpu.memory_space<semaphore_mem>>) src(%dma_wait3A_355 : memref<125x64xf32, #tpu.memory_space<vmem_shared>>) dst(%dma_wait3A_353 : memref<125x64xf32, #tpu.memory_space<hbm>>)
      tpu.yield
    }) : () -> ()
    %add3A_345 = arith.constant 500 : i32
    %add3A_346 = arith.addi %mul3A_0, %add3A_345 : i32
    %mul3A_347 = arith.constant 64 : i32
    %mul3A_348 = arith.muli %arg0, %mul3A_347 : i32
    "tpu.region"() ({
      %run_scoped3A_349 = tpu.sem_alloc : memref<!tpu.dma_semaphore, #tpu.memory_space<semaphore_mem>>
      %dma_start3A_350 = tpu.memref_slice %arg6[%add3A_346, %mul3A_348] : memref<10000x128xf32, #tpu.memory_space<hbm>> -> memref<125x64xf32, #tpu.memory_space<hbm>>
      %dma_start3A_351 = arith.constant 0 : i32
      %dma_start3A_352 = tpu.memref_slice %arg12[%add3A_346, %dma_start3A_351] : memref<10000x64xf32, #tpu.memory_space<vmem_shared>> -> memref<125x64xf32, #tpu.memory_space<vmem_shared>>
      tpu.enqueue_dma source(%dma_start3A_352 : memref<125x64xf32, #tpu.memory_space<vmem_shared>>) target(%dma_start3A_350 : memref<125x64xf32, #tpu.memory_space<hbm>>) target_semaphore(%run_scoped3A_349 : memref<!tpu.dma_semaphore, #tpu.memory_space<semaphore_mem>>)
      %dma_wait3A_353 = tpu.memref_slice %arg6[%add3A_346, %mul3A_348] : memref<10000x128xf32, #tpu.memory_space<hbm>> -> memref<125x64xf32, #tpu.memory_space<hbm>>
      %dma_wait3A_354 = arith.constant 0 : i32
      %dma_wait3A_355 = tpu.memref_slice %arg12[%add3A_346, %dma_wait3A_354] : memref<10000x64xf32, #tpu.memory_space<vmem_shared>> -> memref<125x64xf32, #tpu.memory_space<vmem_shared>>
      tpu.wait_dma2 semaphore(%run_scoped3A_349 : memref<!tpu.dma_semaphore, #tpu.memory_space<semaphore_mem>>) src(%dma_wait3A_355 : memref<125x64xf32, #tpu.memory_space<vmem_shared>>) dst(%dma_wait3A_353 : memref<125x64xf32, #tpu.memory_space<hbm>>)
      tpu.yield
    }) : () -> ()
    return
  }
}

</mosaic_0001>

<sc_bundles>
// kernel: kernel.3.cloned.1.call-start
scs
__scs_entry_jumppad:
0x0: {  	(pc) =	sbr.rel $0x88, $3  }
0x1: {  	(tag) =	ssettag $0x0;
	lr =	simm.s32 $0x1  }
0x2: {  	[smem:$0x3F9E] =	sst lr;
	_ =	strace $0xD0000000  }
0x3: {  	_ = 	snop  }
0x4: {  	_ = 	snop  }
0x5: {  	_ = 	snop  }
0x6: {  	_ = 	snop  }
0x7: {  	_ = 	snop  }
__scs_overlays_trampoline_lowered:
0x8: {  	[smem:$0x3FAD] =	sst s0  }
0x9: {  	[smem:$0x3FAE] =	sst s1  }
0xa: {  	[smem:$0x3FAF] =	sst s2  }
0xb: {  	[smem:$0x3FB0] =	sst s3  }
0xc: {  	[smem:$0x3FB1] =	sst s4  }
0xd: {  	[smem:$0x3FB2] =	sst s5  }
0xe: {  	[smem:$0x3FB3] =	sst s6  }
0xf: {  	[smem:$0x3FB4] =	sst s7  }
0x10: {  	[smem:$0x3FB5] =	sst s8  }
0x11: {  	[smem:$0x3FB6] =	sst s9;
	s0 =	simm.s32 @!p0 $0x0  }
0x12: {  	s1 =	sld [smem:$0x3F9C];
	s0 =	simm.s32 @p0 $0x1  }
0x13: {  	[smem:$0x3FB7] =	sst s0;
	s0 =	simm.s32 @!p1 $0x0  }
0x14: {  	s2 =	sld [smem:$0x3F9B];
	s0 =	simm.s32 @p1 $0x1  }
0x15: {  	[smem:$0x3FB8] =	sst s0;
	s0 =	simm.s32 @!p2 $0x0  }
0x16: {  	s3 =	sld [smem:$0x3FDB];
	s0 =	simm.s32 @p2 $0x1  }
0x17: {  	s4 =	simm.s32 $0x1BF5;
	[smem:$0x3FBA] =	sst s0  }
0x18: {  	s0 =	sld [smem:$0x3F9D];
	_ =	swait.ge [sflag:s4], $0x0  }
0x19: {  	s7 =	sld [smem:$0x3F9E]  }
0x1a: {  	s8 =	sadd.s32 $0xFFFFE003, lr  }
0x1b: {  	s9 =	sadd.s32 $0xFFFFFEF7, lr;
	s5 =	simm.s32 $0xFFFFFFFF;
	p2 =	slt.u32 s8, $0xFFFFF086  }
0x1c: {  	p1 =	slt.u32 s9, $0xF7A;
	s5 =	simm.s32 @!p2 $0x0  }
0x1d: {  	s5 =	simm.s32 @p1 $0x1;
	p0 =	seq.s32 s7, s2  }
0x1e: {  	s7 =	smul.u32 @!p0 $0xF7A, s2;
	p2 =	seq.s32 @!p0 s5, $0x0  }
0x1f: {  	s9 =	smul.u32 $0xF7A, s1;
	s8 =	simm.s32 @!p0 $0x1BF5;
	p2 =	por !p2, p0  }
0x20: {  	[sflag:s8] =	ssyncset.s32 @!p0 $0xFFFFF086;
	s6 =	sadd.s32 @!p0 s3, s7;
	s7 =	simm.s32 @!p0 $0x108  }
0x21: {  	s3 =	sadd.s32 s3, s9;
	s6 =	sadd.s32 @!p0 $0x88, s6;
	s7 =	simm.s32 @p2 $0x1082  }
0x22: {  	[simem:s7], [sflag:s8] =	dma.local @!p0 [hbm:s6], $0xF7A  }
0x23: {  	s9 =	sor.u32 $0xD0000000, s2;
	s6 =	simm.s32 $0x108;
	_ =	swait.ge @!p0 [sflag:s8], $0x0  }
0x24: {  	s3 =	sadd.s32 $0x88, s3;
	s6 =	simm.s32 @!p1 $0x1082;
	[sflag:s4] =	ssyncset.s32 $0xFFFFF086  }
0x25: {  	[simem:s6], [sflag:s4] =	dma.local [hbm:s3], $0xF7A  }
0x26: {  	[smem:$0x3F9E] =	sst s1;
	(tag) =	ssettag s2;
	_ =	strace s9  }
0x27: {  	s1 =	sld [smem:$0x3FAE]  }
0x28: {  	s2 =	sld [smem:$0x3FAF]  }
0x29: {  	s4 =	sld [smem:$0x3FB1]  }
0x2a: {  	p0 =	seq.s32 s5, $0x0;
	s5 =	sld [smem:$0x3FB2]  }
0x2b: {  	s6 =	sld [smem:$0x3FB3]  }
0x2c: {  	s7 =	sld [smem:$0x3FB4]  }
0x2d: {  	s3 =	simm.s32 $0x108;
	s8 =	sld [smem:$0x3FB5]  }
0x2e: {  	s3 =	simm.s32 @!p0 $0x1082;
	s9 =	sld [smem:$0x3FB6]  }
0x2f: {  	lr =	sadd.s32 s0, s3;
	s0 =	sld [smem:$0x3FAD]  }
0x30: {  	s3 =	sld [smem:$0x3FB0]  }
0x31: {  	[smem:$0x3FB9] =	sst s10  }
0x32: {  	s10 =	sld [smem:$0x3FB7];
	_ =	sdelay $0x3  }
0x33: {  	p0 =	seq.s32 s10, $0x1;
	s10 =	sld [smem:$0x3FB9];
	_ =	sdelay $0x3  }
0x34: {  	[smem:$0x3FB9] =	sst s10  }
0x35: {  	s10 =	sld [smem:$0x3FB8];
	_ =	sdelay $0x3  }
0x36: {  	p1 =	seq.s32 s10, $0x1;
	s10 =	sld [smem:$0x3FB9];
	_ =	sdelay $0x3  }
0x37: {  	[smem:$0x3FB9] =	sst s10  }
0x38: {  	s10 =	sld [smem:$0x3FBA]  }
0x39: {  	_ = 	snop;
	(pc) =	sbr.ind lr, $3  }
0x3a: {  	_ = 	snop  }
0x3b: {  	_ = 	snop  }
0x3c: {  	p2 =	seq.s32 s10, $0x1;
	s10 =	sld [smem:$0x3FB9]  }
0x3d: {  	_ =	shalt  }
0x3e: {  	_ =	shalt  }
0x3f: {  	_ =	shalt  }
0x40: {  	_ =	shalt  }
0x41: {  	_ =	shalt  }
0x42: {  	_ =	shalt  }
0x43: {  	_ =	shalt  }
0x44: {  	_ =	shalt  }
0x45: {  	_ =	shalt  }
0x46: {  	_ =	shalt  }
0x47: {  	_ =	shalt  }
0x48: {  	_ =	shalt  }
0x49: {  	_ =	shalt  }
0x4a: {  	_ =	shalt  }
0x4b: {  	_ =	shalt  }
0x4c: {  	_ =	shalt  }
0x4d: {  	_ =	shalt  }
0x4e: {  	_ =	shalt  }
0x4f: {  	_ =	shalt  }
0x50: {  	_ =	shalt  }
0x51: {  	_ =	shalt  }
0x52: {  	_ =	shalt  }
0x53: {  	_ =	shalt  }
0x54: {  	_ =	shalt  }
0x55: {  	_ =	shalt  }
0x56: {  	_ =	shalt  }
0x57: {  	_ =	shalt  }
0x58: {  	_ =	shalt  }
0x59: {  	_ =	shalt  }
0x5a: {  	_ =	shalt  }
0x5b: {  	_ =	shalt  }
0x5c: {  	_ =	shalt  }
0x5d: {  	_ =	shalt  }
0x5e: {  	_ =	shalt  }
0x5f: {  	_ =	shalt  }
0x60: {  	_ =	shalt  }
0x61: {  	_ =	shalt  }
0x62: {  	_ =	shalt  }
0x63: {  	_ =	shalt  }
0x64: {  	_ =	shalt  }
0x65: {  	_ =	shalt  }
0x66: {  	_ =	shalt  }
0x67: {  	_ =	shalt  }
0x68: {  	_ =	shalt  }
0x69: {  	_ =	shalt  }
0x6a: {  	_ =	shalt  }
0x6b: {  	_ =	shalt  }
0x6c: {  	_ =	shalt  }
0x6d: {  	_ =	shalt  }
0x6e: {  	_ =	shalt  }
0x6f: {  	_ =	shalt  }
0x70: {  	_ =	shalt  }
0x71: {  	_ =	shalt  }
0x72: {  	_ =	shalt  }
0x73: {  	_ =	shalt  }
0x74: {  	_ =	shalt  }
0x75: {  	_ =	shalt  }
0x76: {  	_ =	shalt  }
0x77: {  	_ =	shalt  }
0x78: {  	_ =	shalt  }
0x79: {  	_ =	shalt  }
0x7a: {  	_ =	shalt  }
0x7b: {  	_ =	shalt  }
0x7c: {  	_ =	shalt  }
0x7d: {  	_ =	shalt  }
0x7e: {  	_ =	shalt  }
0x7f: {  	_ =	shalt  }
0x80: {  	_ =	shalt  }
0x81: {  	_ =	shalt  }
0x82: {  	_ =	shalt  }
0x83: {  	_ =	shalt  }
0x84: {  	_ =	shalt  }
0x85: {  	_ =	shalt  }
0x86: {  	_ =	shalt  }
0x87: {  	_ =	shalt  }
.Lfunc_end0:
.L_simem_size_0:
called_computation_lowered:
.L_overlay_start_0:
0x88: {  	s2 =	sld [smem:$0x3FD9]  }
0x89: {  	s3 =	sld [smem:$0x3FFE];
	_ =	sdelay $0x1  }
0x8a: {  	s1 =	srdreg.scid  }
0x8b: {  	s0 =	sand.u32 $0x1, s1  }
0x8c: {  	s17 =	sshll.u32 s0, $0xA;
	s2 =	sadd.s32 s3, s2  }
0x8d: {  	s2 =	sadd.s32 s2, s17  }
0x8e: {  	[smem:$0x3FC5] =	sst s2  }
0x8f: {  	_ = 	snop  }
0x90: {  	s2 =	sld [smem:$0x3FD0];
	(tm) =	ssettm $0x1  }
0x91: {  	s18 =	sld [smem:$0x3FFB];
	_ =	sdelay $0x3  }
0x92: {  	_ =	strace s18  }
0x93: {  	s3 =	sld [smem:$0x3FFC];
	_ =	sdelay $0x3  }
0x94: {  	_ =	strace s3  }
0x95: {  	s3 =	sld [smem:$0x3FFD];
	_ =	sdelay $0x3  }
0x96: {  	_ =	strace s3  }
0x97: {  	_ =	strace $0x8FFFFFFF  }
0x98: {  	s19 =	sld [smem:$0x3FDB];
	_ =	sdelay $0x1  }
0x99: {  	s4 =	simm.s32 $_scs_section_size  }
0x9a: {  	s5 =	simm.s32 $_size__tile_overlayer_lowered;
	s6 =	simm.s32 $_tile_overlayer_lowered  }
0x9b: {  	s22 =	simm.s32 $0x1BFF;
	s21 =	sshll.u32 s6, $0x1;
	s3 =	sadd.s32 s4, s19  }
0x9c: {  	s7 =	simm.s32 $0x0;
	s20 =	sshll.u32 s5, $0x1;
	s5 =	sadd.s32 s21, s3  }
0x9d: {  	[timem:s7], [sflag:s22] =	dma.local [hbm:s5], s20  }
0x9e: {  	_ =	swait.ge [sflag:s22], s20  }
0x9f: {  	s4 =	ssub.s32 $0x0, s20;
	[sflag:s22] =	ssyncset.done $0x0  }
0xa0: {  	[sflag:s22] =	ssyncadd.s32 s4;
	_ =	sdelay $0x1  }
0xa1: {  	s23 =	simm.s32 $0x1B8B  }
0xa2: {  	_ =	swait.ge [sflag:s23], $0x1  }
0xa3: {  	[sflag:s23] =	ssyncset.done $0x0  }
0xa4: {  	s25 =	simm.s32 $0x1B8E;
	s24 =	sld [smem:$0x3FFE];
	[sflag:s23] =	ssyncadd.s32 $0xFFFFFFFF  }
0xa5: {  	s26 =	simm.s32 $execute0_lowered;
	[smem:$0x3FD2] =	sst s25  }
0xa6: {  	s5 =	sshll.u32 s26, $0x1;
	_ =	strace $0x80000046;
	[dreg:$0x1] =	wrdreg $0xFFFFFFFF  }
0xa7: {  	s28 =	simm.s32 $_size_execute0_lowered;
	s3 =	sadd.s32 s3, s5;
	[dreg:$0x0] =	wrdreg $0x0  }
0xa8: {  	s5 =	sshll.u32 s28, $0x1;
	[dreg:$0x2] =	wrdreg s3  }
0xa9: {  	[dreg:$0x3] =	wrdreg s5  }
0xaa: {  	[dreg:$0x4] =	wrdreg $0xC0  }
0xab: {  	_ =	task [dreg:s7], $0x5FFFF  }
0xac: {  	[dreg:$0x1] =	wrdreg $0xFFFFFFFF  }
0xad: {  	[dreg:$0x0] =	wrdreg $0x60  }
0xae: {  	[dreg:$0x2] =	wrdreg s24  }
0xaf: {  	[dreg:$0x3] =	wrdreg s2  }
0xb0: {  	[dreg:$0x4] =	wrdreg $0x92000  }
0xb1: {  	[dreg:$0x5] =	wrdreg $0x12E400  }
0xb2: {  	[dreg:$0x6] =	wrdreg $0x9  }
0xb3: {  	_ =	task.clear_ibuf [dreg:s7], $0x7FFFF;
	_ =	strace $0x90000046  }
0xb4: {  	s29 =	simm.s32 $0x9;
	_ =	strace $0x80000048  }
0xb5: {  	_ =	swait.ge [sflag:s29], $0x1  }
0xb6: {  	[sflag:s29] =	ssyncadd.s32 $0xFFFFFFFF  }
0xb7: {  	_ =	strace $0x90000048  }
0xb8: {  	_ =	sfence  }
0xb9: {  	s30 =	sld [smem:$0x0];
	_ =	sdelay $0x2  }
0xba: {  	s31 =	sshll.u32 s1, $0xD;
	s1 =	sshrl.u32 s1, $0x2  }
0xbb: {  	s3 =	sand.u32 $0x4000, s31;
	s1 =	sadd.s32 s1, s30  }
0xbc: {  	s0 =	sor.u32 s3, s0;
	s1 =	sshll.u32 s1, $0x11  }
0xbd: {  	s0 =	sor.u32 s1, s0  }
0xbe: {  	s0 =	sadd.s32 $0x8F2B, s0  }
0xbf: {  	[sflag:s0] =	ssyncadd.remote.s32 $0x1  }
0xc0: {  	_ =	sfence.sel $0xFFFF  }
0xc1: {  	[dreg:$0x0] =	wrdreg $0xFFFFFFFF;
	(pc) =	sbr.abs _section_cstart, $3  }
0xc2: {  	[dreg:$0x1] =	wrdreg $0xFFFFFFFF  }
0xc3: {  	_ =	task.clear_ibuf [dreg:s7], $0x2FFFF;
	_ =	strace $0x9FFFFFFF  }
0xc4: {  	(tm) =	ssettm $0x7FFFFFFF  }
0xc5: {  	_ =	shalt  }
tec
execute0_lowered:
.L_overlay_start_1:
0x0: {  	(tag) =	ssettag $0x1  }
0x1: {  	s0 =	rddreg [dreg:$0x0]  }
0x2: {  	s1 =	rddreg [dreg:$0x1]  }
0x3: {  	s2 =	rddreg [dreg:$0x2]  }
0x4: {  	s3 =	rddreg [dreg:$0x3]  }
0x5: {  	s5 =	srdreg.scid;
	s14 =	stileid.u32  }
0x6: {  	s4 =	simm.s32 $0x0;
	s8 =	sand.u32 $0x1, s5;
	s10 =	smul.u32 $0x9C40, s14  }
0x7: {  	[smem:$0x7FF] =	sst s4;
	s5 =	sadd.s32 $0x31400, s0;
	s12 =	smul.u32 $0x271, s14  }
0x8: {  	s6 =	sadd.s32 $0x27400, s0;
	s26 =	sshll.u32 s14, $0x6;
	s7 =	smul.u32 $0x9C400, s8  }
0x9: {  	_ =	strace $0x80000047;
	s11 =	ssub.s32 $0x2, s8;
	s8 =	sshll.u32 s8, $0x6  }
0xa: {  	s25 =	sshrl.u32 s11, $0x1;
	s13 =	sadd.s32 s10, s2;
	s31 =	sadd.s32 $0x7D, s12  }
0xb: {  	s24 =	sadd.s32 s10, s3;
	s15 =	sadd.s32 $0xFA, s12;
	s9 =	sadd.s32 s10, s7  }
0xc: {  	s7 =	sadd.s32 $0x3B400, s0;
	s11 =	ssub.s32 s11, s25;
	s16 =	sshll.u32 s31, $0x6  }
0xd: {  	s17 =	sshll.u32 s15, $0x6;
	s15 =	sshll.u32 s15, $0x7;
	[dreg:$0x7] =	wrdreg s24  }
0xe: {  	s9 =	sshrl.u32 s9, $0x3;
	s25 =	sadd.s32 s16, s3;
	s16 =	sadd.s32 $0x177, s12  }
0xf: {  	s28 =	sadd.s32 s17, s3;
	s12 =	sadd.s32 $0x1F4, s12;
	s17 =	smul.u32 $0x13880, s14  }
0x10: {  	s14 =	smul.u32 $0x5000, s14;
	s15 =	sor.u32 s8, s15;
	s0 =	sadd.s32 s9, s0  }
0x11: {  	s9 =	sor.u32 $0x1C04, s26;
	s18 =	sshll.u32 s16, $0x6;
	s19 =	sshll.u32 s12, $0x6  }
0x12: {  	s16 =	sshll.u32 s16, $0x7;
	s12 =	sshll.u32 s12, $0x7;
	[dreg:$0x8] =	wrdreg s25  }
0x13: {  	s23 =	sshrl.u32 s15, $0x3;
	[dreg:$0x9] =	wrdreg s28;
	s0 =	sadd.s32 $0x200, s0  }
0x14: {  	s29 =	sadd.s32 s18, s3;
	s30 =	sadd.s32 s19, s3;
	[dreg:$0x6] =	wrdreg s9  }
0x15: {  	s20 =	sor.u32 s8, s17;
	s21 =	sshrl.u32 s14, $0x3;
	[dreg:$0x5] =	wrdreg s0  }
0x16: {  	s16 =	sor.u32 s8, s16;
	s0 =	sshll.u32 s31, $0x7;
	[dreg:$0xa] =	wrdreg s29  }
0x17: {  	s10 =	sshrl.u32 s20, $0x3;
	s22 =	sadd.s32 s5, s21;
	[dreg:$0xb] =	wrdreg s30  }
0x18: {  	s26 =	sshrl.u32 s16, $0x3;
	s15 =	sadd.s32 s7, s21;
	[dreg:$0xc] =	wrdreg s22  }
0x19: {  	s16 =	sor.u32 $0x40, s21;
	s10 =	sadd.s32 s1, s10;
	[dreg:$0x13] =	wrdreg s15  }
0x1a: {  	s0 =	sor.u32 s8, s0;
	s31 =	sadd.s32 s1, s26;
	[dreg:$0xd] =	wrdreg s10  }
0x1b: {  	s8 =	sor.u32 s8, s12;
	s12 =	sadd.s32 s6, s21;
	[dreg:$0x10] =	wrdreg s31  }
0x1c: {  	s19 =	sadd.s32 s5, s16;
	[dreg:$0x12] =	wrdreg s12  }
0x1d: {  	s18 =	sor.u32 $0x80, s21;
	s20 =	sadd.s32 s6, s16;
	[dreg:$0x14] =	wrdreg s19  }
0x1e: {  	s21 =	sadd.s32 s5, s18;
	[dreg:$0x15] =	wrdreg s20  }
0x1f: {  	s17 =	simm.s32 $0xC00;
	s22 =	sadd.s32 s6, s18;
	[dreg:$0x17] =	wrdreg s21  }
0x20: {  	s26 =	smax.u32 s11, $0x1;
	s0 =	sshrl.u32 s0, $0x3;
	[dreg:$0x18] =	wrdreg s22  }
0x21: {  	s8 =	sshrl.u32 s8, $0x3;
	[dreg:$0x1a] =	wrdreg s26;
	s31 =	sshrl.u32 s13, $0x3  }
0x22: {  	s19 =	simm.s32 $0x80;
	s20 =	simm.s32 $0x3200;
	s21 =	simm.s32 $0x1  }
0x23: {  	s22 =	simm.s32 $0x5200;
	s0 =	sadd.s32 s1, s0;
	[dreg:$0x1b] =	wrdreg s31  }
0x24: {  	s26 =	simm.s32 $0x0;
	s10 =	sadd.s32 s1, s8;
	[dreg:$0xe] =	wrdreg s0  }
0x25: {  	s8 =	simm.s32 $0x1200;
	s0 =	sadd.s32 s1, s23;
	[dreg:$0x11] =	wrdreg s10  }
0x26: {  	s23 =	sadd.s32 s7, s18;
	s1 =	simm.s32 $0x4;
	[dreg:$0xf] =	wrdreg s0  }
0x27: {  	s18 =	simm.s32 $0x3;
	s0 =	sadd.s32 s7, s16;
	[dreg:$0x19] =	wrdreg s23  }
0x28: {  	v0 =	vimm.f32 $0.0e+00;
	s16 =	simm.s32 $0x7200;
	s23 =	simm.s32 $0x2;
	[dreg:$0x16] =	wrdreg s0  }
.LBB2_1:
0x29: {  	s0 =	rddreg [dreg:$0x5]  }
0x2a: {  	s10 =	rddreg [dreg:$0x1b]  }
0x2b: {  	[spmem:s10], [sflag:s9] =	dma.local [hbm:s0], $0x1388  }
0x2c: {  	_ =	swait.ge [sflag:s1], $0x1388  }
0x2d: {  	[sflag:s1] =	ssyncset.done $0x0  }
0x2e: {  	s10 =	simm.s32 $0x100;
	s0 =	simm.s32 $0x0;
	[sflag:s1] =	ssyncadd.s32 $0xFFFFEC78  }
.LBB2_2:
0x2f: {  	p0 =	sne.s32 s10, $0x7F00;
	[tilespmem:s0+$0x1230] =	vst v0;
	s11 =	smov.u32 s10;
	s10 =	sadd.s32 $0x100, s10  }
.Ltmp0:
0x30: {  	[tilespmem:s0+$0x1220] =	vst v0;
	(pc) =	sbr.rel @p0 .LBB2_2-.Ltmp0, $3  }
0x31: {  	[tilespmem:s0+$0x1200] =	vst v0  }
0x32: {  	[tilespmem:s0+$0x1210] =	vst v0;
	_ =	sdelay $0x1  }
0x33: {  	s0 =	sshra.s32 s11, $0x2  }
0x34: {  	[tilespmem:s0+$0x1230] =	vst v0  }
0x35: {  	[tilespmem:s0+$0x1220] =	vst v0  }
0x36: {  	[tilespmem:s0+$0x1200] =	vst v0  }
0x37: {  	[tilespmem:s0+$0x1210] =	vst v0  }
0x38: {  	[spmem:s24] =	stream.linear.scatter [tilespmem:s8], [sflag:$0x4], $0x1F40, $0x38;
	[tilespmem:$0x1CA80] =	vst v63  }
0x39: {  	_ =	swait.ge [sflag:s1], $0x1F40  }
0x3a: {  	[sflag:s1] =	ssyncset.done $0x0  }
0x3b: {  	[sflag:s1] =	ssyncadd.s32 $0xFFFFE0C0  }
0x3c: {  	[spmem:s25] =	stream.linear.scatter [tilespmem:s8], [sflag:$0x4], $0x1F40, $0x38;
	[tilespmem:$0x1CA80] =	vst v63  }
0x3d: {  	_ =	swait.ge [sflag:s1], $0x1F40  }
0x3e: {  	[sflag:s1] =	ssyncset.done $0x0  }
0x3f: {  	[sflag:s1] =	ssyncadd.s32 $0xFFFFE0C0  }
0x40: {  	[spmem:s28] =	stream.linear.scatter [tilespmem:s8], [sflag:$0x4], $0x1F40, $0x38;
	[tilespmem:$0x1CA80] =	vst v63  }
0x41: {  	_ =	swait.ge [sflag:s1], $0x1F40  }
0x42: {  	[sflag:s1] =	ssyncset.done $0x0  }
0x43: {  	[sflag:s1] =	ssyncadd.s32 $0xFFFFE0C0  }
0x44: {  	[spmem:s29] =	stream.linear.scatter [tilespmem:s8], [sflag:$0x4], $0x1F40, $0x38;
	[tilespmem:$0x1CA80] =	vst v63  }
0x45: {  	_ =	swait.ge [sflag:s1], $0x1F40  }
0x46: {  	[sflag:s1] =	ssyncset.done $0x0  }
0x47: {  	[sflag:s1] =	ssyncadd.s32 $0xFFFFE0C0  }
0x48: {  	[spmem:s30] =	stream.linear.scatter [tilespmem:s8], [sflag:$0x4], $0x1F40, $0x38;
	[tilespmem:$0x1CA80] =	vst v63  }
0x49: {  	_ =	swait.ge [sflag:s1], $0x1F40  }
0x4a: {  	[sflag:s1] =	ssyncset.done $0x0  }
0x4b: {  	[sflag:s1] =	ssyncadd.s32 $0xFFFFE0C0  }
0x4c: {  	[bflag:$0x0] =	sbarrier.arrive $0xFFFF  }
0x4d: {  	s28 =	simm.s32 $0x0;
	s13 =	rddreg [dreg:$0xc]  }
0x4e: {  	[tilespmem:s28], [sflag:$0x3] =	stream.linear.gather [hbm4b:s13+s28], $0x200, $0x38;
	[tilespmem:$0x1CA80] =	vst v63  }
0x4f: {  	s9 =	simm.s32 $0x600;
	s15 =	rddreg [dreg:$0x12]  }
0x50: {  	[tilespmem:s9], [sflag:$0x3] =	stream.linear.gather [hbm4b:s15+s28], $0x200, $0x38;
	[tilespmem:$0x1CA80] =	vst v63  }
0x51: {  	s24 =	rddreg [dreg:$0x13]  }
0x52: {  	[tilespmem:s17], [sflag:$0x3] =	stream.linear.gather [hbm4b:s24+s28], $0x200, $0x38;
	[tilespmem:$0x1CA80] =	vst v63  }
0x53: {  	s10 =	simm.s32 $0x200;
	s25 =	rddreg [dreg:$0x14]  }
0x54: {  	[tilespmem:s10], [sflag:$0x3] =	stream.linear.gather [hbm4b:s25+s28], $0x200, $0x38;
	[tilespmem:$0x1CA80] =	vst v63  }
0x55: {  	s31 =	simm.s32 $0x800;
	s29 =	rddreg [dreg:$0x15]  }
0x56: {  	[tilespmem:s31], [sflag:$0x3] =	stream.linear.gather [hbm4b:s29+s28], $0x200, $0x38;
	[tilespmem:$0x1CA80] =	vst v63  }
0x57: {  	s11 =	simm.s32 $0xE00;
	s10 =	rddreg [dreg:$0x16]  }
0x58: {  	[tilespmem:s11], [sflag:$0x3] =	stream.linear.gather [hbm4b:s10+s28], $0x200, $0x38;
	[tilespmem:$0x1CA80] =	vst v63  }
0x59: {  	_ =	swait.ge [sflag:s18], $0x200  }
0x5a: {  	[sflag:s18] =	ssyncset.done $0x0  }
0x5b: {  	[sflag:s18] =	ssyncadd.s32 $0xFFFFFE00  }
0x5c: {  	_ =	swait.ge [sflag:s18], $0x200  }
0x5d: {  	[sflag:s18] =	ssyncset.done $0x0  }
0x5e: {  	[sflag:s18] =	ssyncadd.s32 $0xFFFFFE00  }
0x5f: {  	_ =	swait.ge [sflag:s18], $0x200  }
0x60: {  	[sflag:s18] =	ssyncset.done $0x0  }
0x61: {  	[sflag:s18] =	ssyncadd.s32 $0xFFFFFE00  }
0x62: {  	_ =	swait.ge [sflag:s18], $0x200  }
0x63: {  	[sflag:s18] =	ssyncset.done $0x0  }
0x64: {  	[sflag:s18] =	ssyncadd.s32 $0xFFFFFE00  }
0x65: {  	_ =	swait.ge [sflag:s18], $0x200  }
0x66: {  	[sflag:s18] =	ssyncset.done $0x0  }
0x67: {  	[sflag:s18] =	ssyncadd.s32 $0xFFFFFE00  }
0x68: {  	_ =	swait.ge [sflag:s18], $0x200  }
0x69: {  	[sflag:s18] =	ssyncset.done $0x0  }
0x6a: {  	s13 =	simm.s32 $0x400;
	s12 =	rddreg [dreg:$0x17];
	[sflag:s18] =	ssyncadd.s32 $0xFFFFFE00  }
0x6b: {  	[tilespmem:s13], [sflag:$0x3] =	stream.linear.gather [hbm4b:s12+s28], $0x200, $0x38;
	[tilespmem:$0x1CA80] =	vst v63  }
0x6c: {  	s24 =	simm.s32 $0xA00;
	s15 =	rddreg [dreg:$0x18]  }
0x6d: {  	[tilespmem:s24], [sflag:$0x3] =	stream.linear.gather [hbm4b:s15+s28], $0x200, $0x38;
	[tilespmem:$0x1CA80] =	vst v63  }
0x6e: {  	s29 =	simm.s32 $0x1000;
	s25 =	rddreg [dreg:$0x19]  }
0x6f: {  	[tilespmem:s29], [sflag:$0x3] =	stream.linear.gather [hbm4b:s25+s28], $0x200, $0x38;
	[tilespmem:$0x1CA80] =	vst v63  }
0x70: {  	_ = 	snop  }
0x71: {  	[tilespmem:s8], [sflag:$0x1] =	stream.indirect.gather [spmem:s2], $0x40, s9, s19, $0xb8;
	[tilespmem:$0x1CA80] =	vst v63  }
0x72: {  	s30 =	simm.s32 $0x0;
	s31 =	simm.s32 $0x680  }
0x73: {  	[tilespmem:s20], [sflag:$0x1] =	stream.indirect.gather [spmem:s2], $0x40, s31, s19, $0xb8;
	[tilespmem:$0x1CA80] =	vst v63  }
.LBB2_4:
0x74: {  	s0 =	smul.u32 $0xAB, s30;
	p0 =	seq.s32 s30, $0x0  }
0x75: {  	p1 =	seq.s32 @!p0 s30, $0x27  }
0x76: {  	s10 =	sshrl.u32 s0, $0x9;
	p1 =	por p1, p0  }
0x77: {  	s10 =	sand.u32 $0x7F, s10;
	s11 =	simm.s32 @!p1 $0x3  }
0x78: {  	s10 =	smul.u32 $0x3, s10;
	_ =	swait.ge @!p1 [sflag:s11], $0x200  }
0x79: {  	[sflag:s11] =	ssyncset.done @!p1 $0x0  }
0x7a: {  	s10 =	ssub.s32 s30, s10;
	[sflag:s11] =	ssyncadd.s32 @!p1 $0xFFFFFE00  }
0x7b: {  	s10 =	sand.u32 $0xFF, s10;
	_ =	swait.ge @!p1 [sflag:s11], $0x200  }
0x7c: {  	v2 =	vmov s28;
	s29 =	sshll.u32 s10, $0x9;
	[sflag:s11] =	ssyncset.done @!p1 $0x0  }
0x7d: {  	v2 =	vand.u32 $0x7E, v2;
	v1 =	vmov s29;
	[sflag:s11] =	ssyncadd.s32 @!p1 $0xFFFFFE00  }
0x7e: {  	v2 =	vor.u32 v1, v2;
	_ =	swait.ge @!p1 [sflag:s11], $0x200  }
0x7f: {  	v2 =	vbroadcast v2, $0x0;
	[sflag:s11] =	ssyncset.done @!p1 $0x0  }
0x80: {  	[sflag:s11] =	ssyncadd.s32 @!p1 $0xFFFFFE00  }
0x81: {  	_ =	swait.ge [sflag:s21], $0x2000  }
0x82: {  	[sflag:s21] =	ssyncset.done $0x0  }
0x83: {  	s12 =	simm.s32 $0x1240;
	[sflag:s21] =	ssyncadd.s32 $0xFFFFE000  }
0x84: {  	v3 =	vld [tilespmem:s12+$0xFFFFFFC0]  }
0x85: {  	v2 =	vld.idx.msk [tilespmem:v2+s17+$0x0], $0xffff  }
0x86: {  	s15 =	simm.s32 $0x1;
	v4 =	vld [tilespmem:s12+$0xFFFFFFF0]  }
0x87: {  	v6 =	vmov s15;
	v5 =	vld [tilespmem:s12+$0xFFFFFFD0]  }
0x88: {  	v6 =	vand.u32 $0x7F, v6;
	v7 =	vld [tilespmem:s12+$0xFFFFFFE0]  }
0x89: {  	v6 =	vor.u32 v1, v6  }
0x8a: {  	v6 =	vbroadcast v6, $0x0;
	v3 =	vmul.f32 v3, v2  }
0x8b: {  	s24 =	sadd.s32 $0xAB, s0;
	v4 =	vmul.f32 v4, v2  }
0x8c: {  	s0 =	sadd.s32 $0x156, s0;
	s10 =	sshrl.u32 s24, $0x9;
	[tilespmem:s12+$0xFFFFFFC0] =	vst v3;
	v3 =	vmul.f32 v5, v2  }
0x8d: {  	s0 =	sshrl.u32 s0, $0x9;
	s10 =	sand.u32 $0x7F, s10;
	v2 =	vmul.f32 v7, v2;
	[tilespmem:s12+$0xFFFFFFF0] =	vst v4  }
0x8e: {  	s25 =	sand.u32 $0x7F, s0;
	s10 =	smul.u32 $0x3, s10;
	v4 =	vld [tilespmem:s12+$0x0];
	[tilespmem:s12+$0xFFFFFFD0] =	vst v3  }
0x8f: {  	s0 =	sadd.s32 $0x1, s30;
	s11 =	smul.u32 $0x3, s25;
	v5 =	vld [tilespmem:s12+$0x10];
	[tilespmem:s12+$0xFFFFFFE0] =	vst v2  }
0x90: {  	s13 =	simm.s32 $0x2;
	s15 =	ssub.s32 s0, s10;
	s10 =	sadd.s32 $0x2, s30;
	v3 =	vld.idx.msk [tilespmem:v6+s17+$0x0], $0xffff  }
0x91: {  	s24 =	simm.s32 $0x4;
	s11 =	ssub.s32 s10, s11;
	v7 =	vmov s13;
	v2 =	vld [tilespmem:s12+$0x30]  }
0x92: {  	s31 =	sand.u32 $0xFF, s15;
	s15 =	simm.s32 $0x1240;
	s11 =	sand.u32 $0xFF, s11;
	v7 =	vand.u32 $0x7E, v7;
	v6 =	vld [tilespmem:s12+$0x20]  }
.LBB2_5:
0x93: {  	p1 =	slt.u32 s24, $0x7E  }
0x94: {  	v7 =	vor.u32 v1, v7;
	s12 =	sadd.s32 $0x80, s12;
	s25 =	smov.u32 s24;
	s24 =	sadd.s32 $0x2, s24  }
0x95: {  	v7 =	vbroadcast v7, $0x0;
	v4 =	vmul.f32 v4, v3  }
0x96: {  	v2 =	vmul.f32 v2, v3;
	v5 =	vmul.f32 v5, v3  }
0x97: {  	[tilespmem:s15+$0x0] =	vst v4;
	v3 =	vmul.f32 v6, v3  }
0x98: {  	[tilespmem:s15+$0x10] =	vst v5  }
0x99: {  	v4 =	vld [tilespmem:s12+$0xFFFFFFF0];
	[tilespmem:s15+$0x20] =	vst v3  }
0x9a: {  	v3 =	vld [tilespmem:s12+$0xFFFFFFD0];
	[tilespmem:s15+$0x30] =	vst v2;
	s15 =	smov.u32 s12  }
0x9b: {  	v2 =	vld.idx.msk [tilespmem:v7+s17+$0x0], $0xffff  }
0x9c: {  	v5 =	vld [tilespmem:s12+$0xFFFFFFC0]  }
0x9d: {  	s9 =	sadd.s32 $0x1, s13;
	s13 =	smov.u32 s25;
	v6 =	vld [tilespmem:s12+$0xFFFFFFE0]  }
0x9e: {  	v7 =	vmov s9  }
0x9f: {  	v7 =	vand.u32 $0x7F, v7  }
0xa0: {  	v7 =	vor.u32 v1, v7  }
0xa1: {  	v7 =	vbroadcast v7, $0x0;
	v5 =	vmul.f32 v5, v2  }
0xa2: {  	v4 =	vmul.f32 v4, v2;
	v6 =	vmul.f32 v6, v2  }
0xa3: {  	v2 =	vmul.f32 v3, v2;
	[tilespmem:s12+$0xFFFFFFC0] =	vst v5  }
0xa4: {  	[tilespmem:s12+$0xFFFFFFF0] =	vst v4  }
0xa5: {  	[tilespmem:s12+$0xFFFFFFD0] =	vst v2  }
0xa6: {  	[tilespmem:s12+$0xFFFFFFE0] =	vst v6;
	v2 =	vld [tilespmem:s12+$0x30]  }
.Ltmp1:
0xa7: {  	v3 =	vld.idx.msk [tilespmem:v7+s17+$0x0], $0xffff;
	(pc) =	sbr.rel @p1 .LBB2_5-.Ltmp1, $4  }
0xa8: {  	v4 =	vld [tilespmem:s12+$0x0]  }
0xa9: {  	v5 =	vld [tilespmem:s12+$0x10]  }
0xaa: {  	v7 =	vmov s13;
	v6 =	vld [tilespmem:s12+$0x20]  }
0xab: {  	v7 =	vand.u32 $0x7E, v7  }
0xac: {  	v7 =	vor.u32 v1, v7  }
0xad: {  	v4 =	vmul.f32 v4, v3;
	v7 =	vbroadcast v7, $0x0  }
0xae: {  	v5 =	vmul.f32 v5, v3  }
0xaf: {  	v2 =	vmul.f32 v2, v3;
	[tilespmem:s15+$0x0] =	vst v4  }
0xb0: {  	s9 =	sadd.s32 $0x80, s12;
	v4 =	vmul.f32 v6, v3;
	[tilespmem:s15+$0x10] =	vst v5  }
0xb1: {  	[tilespmem:s15+$0x30] =	vst v2;
	v3 =	vld [tilespmem:s9+$0xFFFFFFF0]  }
0xb2: {  	[tilespmem:s15+$0x20] =	vst v4;
	v4 =	vld [tilespmem:s9+$0xFFFFFFC0]  }
0xb3: {  	v2 =	vld.idx.msk [tilespmem:v7+s17+$0x0], $0xffff  }
0xb4: {  	s25 =	sadd.s32 $0x1, s13  }
0xb5: {  	v6 =	vmov s25;
	v5 =	vld [tilespmem:s9+$0xFFFFFFD0]  }
0xb6: {  	v6 =	vand.u32 $0x7F, v6;
	v7 =	vld [tilespmem:s9+$0xFFFFFFE0]  }
0xb7: {  	v6 =	vor.u32 v1, v6  }
0xb8: {  	v6 =	vbroadcast v6, $0x0;
	v4 =	vmul.f32 v4, v2  }
0xb9: {  	v3 =	vmul.f32 v3, v2  }
0xba: {  	[tilespmem:s9+$0xFFFFFFC0] =	vst v4;
	v4 =	vmul.f32 v5, v2  }
0xbb: {  	v2 =	vmul.f32 v7, v2;
	[tilespmem:s9+$0xFFFFFFF0] =	vst v3  }
0xbc: {  	[tilespmem:s9+$0xFFFFFFD0] =	vst v4  }
0xbd: {  	v3 =	vld [tilespmem:s9+$0x0];
	[tilespmem:s9+$0xFFFFFFE0] =	vst v2  }
0xbe: {  	v2 =	vld.idx.msk [tilespmem:v6+s17+$0x0], $0xffff  }
0xbf: {  	v4 =	vld [tilespmem:s9+$0x10]  }
0xc0: {  	v5 =	vld [tilespmem:s9+$0x20]  }
0xc1: {  	v6 =	vld [tilespmem:s9+$0x30];
	_ =	sdelay $0x1  }
0xc2: {  	v3 =	vmul.f32 v3, v2  }
0xc3: {  	v4 =	vmul.f32 v4, v2  }
0xc4: {  	[tilespmem:s9+$0x0] =	vst v3;
	v3 =	vmul.f32 v5, v2  }
0xc5: {  	v2 =	vmul.f32 v6, v2;
	[tilespmem:s9+$0x10] =	vst v4  }
0xc6: {  	[tilespmem:s9+$0x20] =	vst v3  }
0xc7: {  	s13 =	simm.s32 $0x80;
	[tilespmem:s9+$0x30] =	vst v2;
	s9 =	simm.s32 @!p0 $0x2  }
0xc8: {  	v2 =	vmov s13;
	_ =	swait.ge @!p0 [sflag:s9], $0x2000  }
0xc9: {  	v2 =	vand.u32 $0xFE, v2;
	[sflag:s9] =	ssyncset.done @!p0 $0x0  }
0xca: {  	s15 =	sadd.s32 $0x700, s29;
	v2 =	vor.u32 v1, v2;
	[sflag:s9] =	ssyncadd.s32 @!p0 $0xFFFFE000  }
0xcb: {  	v2 =	vbroadcast v2, $0x0;
	[tilespmem:s22], [sflag:$0x1] =	stream.indirect.gather [spmem:s2], $0x40, s15, s19, $0xb8;
	[tilespmem:$0x1CA80] =	vst v63  }
0xcc: {  	_ = 	snop  }
0xcd: {  	[spmem:s3] =	stream.indirect.scatter.add.f32 [tilespmem:s8], [sflag:$0x2], $0x40, s29, s19, $0xb8;
	[tilespmem:$0x1CA80] =	vst v63  }
0xce: {  	_ =	swait.ge [sflag:s21], $0x2000  }
0xcf: {  	[sflag:s21] =	ssyncset.done $0x0  }
0xd0: {  	[sflag:s21] =	ssyncadd.s32 $0xFFFFE000  }
0xd1: {  	s12 =	simm.s32 $0x3270;
	v2 =	vld.idx.msk [tilespmem:v2+s17+$0x0], $0xffff  }
0xd2: {  	v3 =	vld [tilespmem:s12+$0xFFFFFF90]  }
0xd3: {  	s24 =	simm.s32 $0x81;
	v4 =	vld [tilespmem:s12+$0xFFFFFFC0]  }
0xd4: {  	v6 =	vmov s24;
	v5 =	vld [tilespmem:s12+$0xFFFFFFA0]  }
0xd5: {  	v6 =	vand.u32 $0xFF, v6;
	v7 =	vld [tilespmem:s12+$0xFFFFFFB0]  }
0xd6: {  	v6 =	vor.u32 v1, v6  }
0xd7: {  	v6 =	vbroadcast v6, $0x0;
	v3 =	vmul.f32 v3, v2  }
0xd8: {  	v4 =	vmul.f32 v4, v2  }
0xd9: {  	[tilespmem:s12+$0xFFFFFF90] =	vst v3;
	v3 =	vmul.f32 v5, v2  }
0xda: {  	v5 =	vmul.f32 v7, v2;
	[tilespmem:s12+$0xFFFFFFC0] =	vst v4  }
0xdb: {  	v2 =	vld [tilespmem:s12+$0xFFFFFFF0];
	[tilespmem:s12+$0xFFFFFFA0] =	vst v3  }
0xdc: {  	[tilespmem:s12+$0xFFFFFFB0] =	vst v5;
	v5 =	vld [tilespmem:s12+$0xFFFFFFD0]  }
0xdd: {  	v4 =	vld.idx.msk [tilespmem:v6+s17+$0x0], $0xffff  }
0xde: {  	s25 =	simm.s32 $0x82;
	v6 =	vld [tilespmem:s12+$0xFFFFFFE0]  }
0xdf: {  	v7 =	vmov s25;
	v3 =	vld [tilespmem:s12+$0x0]  }
0xe0: {  	s24 =	simm.s32 $0x2;
	s13 =	simm.s32 $0x0;
	s15 =	simm.s32 $0x3270;
	v7 =	vand.u32 $0xFE, v7  }
.LBB2_7:
0xe1: {  	v7 =	vor.u32 v1, v7;
	s12 =	sadd.s32 $0x80, s12;
	s9 =	smov.u32 s24;
	s24 =	sadd.s32 $0x2, s24  }
0xe2: {  	p1 =	slt.u32 s24, $0x7E;
	v7 =	vbroadcast v7, $0x0;
	v5 =	vmul.f32 v5, v4  }
0xe3: {  	v2 =	vmul.f32 v2, v4;
	v6 =	vmul.f32 v6, v4  }
0xe4: {  	v3 =	vmul.f32 v3, v4;
	[tilespmem:s15+$0xFFFFFFD0] =	vst v5  }
0xe5: {  	[tilespmem:s15+$0xFFFFFFE0] =	vst v6  }
0xe6: {  	v4 =	vld [tilespmem:s12+$0xFFFFFFC0];
	[tilespmem:s15+$0xFFFFFFF0] =	vst v2  }
0xe7: {  	v2 =	vld [tilespmem:s12+$0xFFFFFFA0];
	[tilespmem:s15+$0x0] =	vst v3;
	s15 =	smov.u32 s12  }
0xe8: {  	v3 =	vld.idx.msk [tilespmem:v7+s17+$0x0], $0xffff  }
0xe9: {  	v5 =	vld [tilespmem:s12+$0xFFFFFF90]  }
0xea: {  	s25 =	sadd.s32 $0x83, s13;
	s13 =	smov.u32 s9;
	v6 =	vld [tilespmem:s12+$0xFFFFFFB0]  }
0xeb: {  	v7 =	vmov s25  }
0xec: {  	v7 =	vand.u32 $0xFF, v7  }
0xed: {  	v7 =	vor.u32 v1, v7  }
0xee: {  	v7 =	vbroadcast v7, $0x0;
	v5 =	vmul.f32 v5, v3  }
0xef: {  	v4 =	vmul.f32 v4, v3;
	v6 =	vmul.f32 v6, v3  }
0xf0: {  	v2 =	vmul.f32 v2, v3;
	[tilespmem:s12+$0xFFFFFF90] =	vst v5  }
0xf1: {  	[tilespmem:s12+$0xFFFFFFC0] =	vst v4  }
0xf2: {  	[tilespmem:s12+$0xFFFFFFA0] =	vst v2;
	v2 =	vld [tilespmem:s12+$0xFFFFFFF0]  }
0xf3: {  	[tilespmem:s12+$0xFFFFFFB0] =	vst v6;
	v3 =	vld [tilespmem:s12+$0x0]  }
.Ltmp2:
0xf4: {  	v4 =	vld.idx.msk [tilespmem:v7+s17+$0x0], $0xffff;
	(pc) =	sbr.rel @p1 .LBB2_7-.Ltmp2, $4  }
0xf5: {  	v5 =	vld [tilespmem:s12+$0xFFFFFFD0]  }
0xf6: {  	s9 =	sadd.s32 $0x82, s13;
	v6 =	vld [tilespmem:s12+$0xFFFFFFE0]  }
0xf7: {  	v7 =	vmov s9  }
0xf8: {  	v7 =	vand.u32 $0xFE, v7  }
0xf9: {  	v7 =	vor.u32 v1, v7  }
0xfa: {  	v3 =	vmul.f32 v3, v4;
	v7 =	vbroadcast v7, $0x0  }
0xfb: {  	v5 =	vmul.f32 v5, v4  }
0xfc: {  	v6 =	vmul.f32 v6, v4;
	[tilespmem:s15+$0x0] =	vst v3  }
0xfd: {  	s9 =	sadd.s32 $0x80, s12;
	v2 =	vmul.f32 v2, v4;
	[tilespmem:s15+$0xFFFFFFD0] =	vst v5  }
0xfe: {  	v3 =	vld [tilespmem:s9+$0xFFFFFF90];
	[tilespmem:s15+$0xFFFFFFE0] =	vst v6  }
0xff: {  	v4 =	vld [tilespmem:s9+$0xFFFFFFC0];
	[tilespmem:s15+$0xFFFFFFF0] =	vst v2  }
0x100: {  	v2 =	vld.idx.msk [tilespmem:v7+s17+$0x0], $0xffff  }
0x101: {  	s24 =	sadd.s32 $0x83, s13  }
0x102: {  	v5 =	vld [tilespmem:s9+$0xFFFFFFA0];
	v6 =	vmov s24  }
0x103: {  	v6 =	vand.u32 $0xFF, v6;
	v7 =	vld [tilespmem:s9+$0xFFFFFFB0]  }
0x104: {  	v6 =	vor.u32 v1, v6  }
0x105: {  	v6 =	vbroadcast v6, $0x0;
	v3 =	vmul.f32 v3, v2  }
0x106: {  	v4 =	vmul.f32 v4, v2  }
0x107: {  	[tilespmem:s9+$0xFFFFFF90] =	vst v3;
	v3 =	vmul.f32 v5, v2  }
0x108: {  	v2 =	vmul.f32 v7, v2;
	[tilespmem:s9+$0xFFFFFFC0] =	vst v4  }
0x109: {  	[tilespmem:s9+$0xFFFFFFA0] =	vst v3  }
0x10a: {  	[tilespmem:s9+$0xFFFFFFB0] =	vst v2;
	v3 =	vld [tilespmem:s9+$0xFFFFFFD0]  }
0x10b: {  	v2 =	vld.idx.msk [tilespmem:v6+s17+$0x0], $0xffff  }
0x10c: {  	v4 =	vld [tilespmem:s9+$0xFFFFFFE0]  }
0x10d: {  	v5 =	vld [tilespmem:s9+$0xFFFFFFF0]  }
0x10e: {  	v6 =	vld [tilespmem:s9+$0x0];
	_ =	sdelay $0x1  }
0x10f: {  	v3 =	vmul.f32 v3, v2  }
0x110: {  	v4 =	vmul.f32 v4, v2  }
0x111: {  	v5 =	vmul.f32 v5, v2;
	[tilespmem:s9+$0xFFFFFFD0] =	vst v3  }
0x112: {  	v2 =	vmul.f32 v6, v2;
	[tilespmem:s9+$0xFFFFFFE0] =	vst v4  }
0x113: {  	[tilespmem:s9+$0xFFFFFFF0] =	vst v5  }
0x114: {  	s25 =	simm.s32 $0x100;
	[tilespmem:s9+$0x0] =	vst v2;
	s9 =	simm.s32 @!p0 $0x2  }
0x115: {  	v2 =	vmov s25;
	_ =	swait.ge @!p0 [sflag:s9], $0x2000  }
0x116: {  	v2 =	vand.u32 $0x17E, v2;
	[sflag:s9] =	ssyncset.done @!p0 $0x0  }
0x117: {  	s13 =	sadd.s32 $0x780, s29;
	v2 =	vor.u32 v1, v2;
	[sflag:s9] =	ssyncadd.s32 @!p0 $0xFFFFE000  }
0x118: {  	v2 =	vbroadcast v2, $0x0;
	[tilespmem:s16], [sflag:$0x1] =	stream.indirect.gather [spmem:s2], $0x40, s13, s19, $0xb8;
	[tilespmem:$0x1CA80] =	vst v63  }
0x119: {  	s15 =	sadd.s32 $0x80, s29  }
0x11a: {  	[spmem:s3] =	stream.indirect.scatter.add.f32 [tilespmem:s20], [sflag:$0x2], $0x40, s15, s19, $0xb8;
	[tilespmem:$0x1CA80] =	vst v63  }
0x11b: {  	_ =	swait.ge [sflag:s21], $0x2000  }
0x11c: {  	[sflag:s21] =	ssyncset.done $0x0  }
0x11d: {  	[sflag:s21] =	ssyncadd.s32 $0xFFFFE000  }
0x11e: {  	s12 =	simm.s32 $0x5200;
	v2 =	vld.idx.msk [tilespmem:v2+s17+$0x0], $0xffff  }
0x11f: {  	v3 =	vld [tilespmem:s12+$0x0]  }
0x120: {  	s24 =	simm.s32 $0x101;
	v4 =	vld [tilespmem:s12+$0x30]  }
0x121: {  	v6 =	vmov s24;
	v5 =	vld [tilespmem:s12+$0x10]  }
0x122: {  	v6 =	vand.u32 $0x17F, v6;
	v7 =	vld [tilespmem:s12+$0x20]  }
0x123: {  	v6 =	vor.u32 v1, v6  }
0x124: {  	v6 =	vbroadcast v6, $0x0;
	v3 =	vmul.f32 v3, v2  }
0x125: {  	v4 =	vmul.f32 v4, v2  }
0x126: {  	[tilespmem:s12+$0x0] =	vst v3;
	v3 =	vmul.f32 v5, v2  }
0x127: {  	v2 =	vmul.f32 v7, v2;
	[tilespmem:s12+$0x30] =	vst v4  }
0x128: {  	v4 =	vld [tilespmem:s12+$0x40];
	[tilespmem:s12+$0x10] =	vst v3  }
0x129: {  	v5 =	vld [tilespmem:s12+$0x50];
	[tilespmem:s12+$0x20] =	vst v2  }
0x12a: {  	v2 =	vld.idx.msk [tilespmem:v6+s17+$0x0], $0xffff  }
0x12b: {  	s25 =	simm.s32 $0x102;
	v3 =	vld [tilespmem:s12+$0x70]  }
0x12c: {  	v7 =	vmov s25;
	v6 =	vld [tilespmem:s12+$0x60]  }
0x12d: {  	s24 =	simm.s32 $0x2;
	s13 =	simm.s32 $0x0;
	s15 =	simm.s32 $0x5200;
	v7 =	vand.u32 $0x17E, v7  }
.LBB2_9:
0x12e: {  	v7 =	vor.u32 v1, v7;
	s12 =	sadd.s32 $0x80, s12;
	s9 =	smov.u32 s24;
	s24 =	sadd.s32 $0x2, s24  }
0x12f: {  	p0 =	slt.u32 s24, $0x7E;
	v7 =	vbroadcast v7, $0x0;
	v4 =	vmul.f32 v4, v2  }
0x130: {  	v3 =	vmul.f32 v3, v2;
	v5 =	vmul.f32 v5, v2  }
0x131: {  	[tilespmem:s15+$0x40] =	vst v4;
	v2 =	vmul.f32 v6, v2  }
0x132: {  	[tilespmem:s15+$0x50] =	vst v5  }
0x133: {  	v4 =	vld [tilespmem:s12+$0x30];
	[tilespmem:s15+$0x60] =	vst v2  }
0x134: {  	v2 =	vld [tilespmem:s12+$0x10];
	[tilespmem:s15+$0x70] =	vst v3;
	s15 =	smov.u32 s12  }
0x135: {  	v3 =	vld.idx.msk [tilespmem:v7+s17+$0x0], $0xffff  }
0x136: {  	v5 =	vld [tilespmem:s12+$0x0]  }
0x137: {  	s25 =	sadd.s32 $0x103, s13;
	s13 =	smov.u32 s9;
	v6 =	vld [tilespmem:s12+$0x20]  }
0x138: {  	v7 =	vmov s25  }
0x139: {  	v7 =	vand.u32 $0x17F, v7  }
0x13a: {  	v7 =	vor.u32 v1, v7  }
0x13b: {  	v7 =	vbroadcast v7, $0x0;
	v5 =	vmul.f32 v5, v3  }
0x13c: {  	v4 =	vmul.f32 v4, v3;
	v6 =	vmul.f32 v6, v3  }
0x13d: {  	v2 =	vmul.f32 v2, v3;
	[tilespmem:s12+$0x0] =	vst v5  }
0x13e: {  	[tilespmem:s12+$0x30] =	vst v4  }
0x13f: {  	[tilespmem:s12+$0x10] =	vst v2  }
0x140: {  	[tilespmem:s12+$0x20] =	vst v6;
	v3 =	vld [tilespmem:s12+$0x70]  }
.Ltmp3:
0x141: {  	v2 =	vld.idx.msk [tilespmem:v7+s17+$0x0], $0xffff;
	(pc) =	sbr.rel @p0 .LBB2_9-.Ltmp3, $4  }
0x142: {  	v4 =	vld [tilespmem:s12+$0x40]  }
0x143: {  	s9 =	sadd.s32 $0x102, s13;
	v5 =	vld [tilespmem:s12+$0x50]  }
0x144: {  	v7 =	vmov s9;
	v6 =	vld [tilespmem:s12+$0x60]  }
0x145: {  	v7 =	vand.u32 $0x17E, v7  }
0x146: {  	v7 =	vor.u32 v1, v7  }
0x147: {  	v4 =	vmul.f32 v4, v2;
	v7 =	vbroadcast v7, $0x0  }
0x148: {  	v5 =	vmul.f32 v5, v2  }
0x149: {  	[tilespmem:s15+$0x40] =	vst v4;
	v55 =	vmul.f32 v6, v2  }
0x14a: {  	s9 =	sadd.s32 $0x80, s12;
	v2 =	vmul.f32 v3, v2;
	[tilespmem:s15+$0x50] =	vst v5  }
0x14b: {  	v3 =	vld [tilespmem:s9+$0x30];
	[tilespmem:s15+$0x60] =	vst v55  }
0x14c: {  	v56 =	vld [tilespmem:s9+$0x0];
	[tilespmem:s15+$0x70] =	vst v2  }
0x14d: {  	v2 =	vld.idx.msk [tilespmem:v7+s17+$0x0], $0xffff  }
0x14e: {  	s24 =	sadd.s32 $0x103, s13  }
0x14f: {  	v58 =	vmov s24;
	v57 =	vld [tilespmem:s9+$0x10]  }
0x150: {  	v6 =	vand.u32 $0x17F, v58;
	v59 =	vld [tilespmem:s9+$0x20]  }
0x151: {  	v6 =	vor.u32 v1, v6  }
0x152: {  	v6 =	vbroadcast v6, $0x0;
	v4 =	vmul.f32 v56, v2  }
0x153: {  	v3 =	vmul.f32 v3, v2  }
0x154: {  	v60 =	vmul.f32 v57, v2;
	[tilespmem:s9+$0x0] =	vst v4  }
0x155: {  	v2 =	vmul.f32 v59, v2;
	[tilespmem:s9+$0x30] =	vst v3  }
0x156: {  	[tilespmem:s9+$0x10] =	vst v60  }
0x157: {  	[tilespmem:s9+$0x20] =	vst v2;
	v3 =	vld [tilespmem:s9+$0x40]  }
0x158: {  	v2 =	vld.idx.msk [tilespmem:v6+s17+$0x0], $0xffff  }
0x159: {  	v61 =	vld [tilespmem:s9+$0x50]  }
0x15a: {  	v62 =	vld [tilespmem:s9+$0x60]  }
0x15b: {  	v63 =	vld [tilespmem:s9+$0x70];
	_ =	sdelay $0x1  }
0x15c: {  	v3 =	vmul.f32 v3, v2  }
0x15d: {  	v4 =	vmul.f32 v61, v2  }
0x15e: {  	s25 =	sadd.s32 $0xFFFFFFFF, s30;
	[tilespmem:s9+$0x40] =	vst v3;
	v3 =	vmul.f32 v62, v2  }
0x15f: {  	p0 =	sgt.u32 s25, $0x24;
	v2 =	vmul.f32 v63, v2;
	[tilespmem:s9+$0x50] =	vst v4  }
.Ltmp4:
0x160: {  	[tilespmem:s9+$0x60] =	vst v3;
	(pc) =	sbr.rel @p0 .LBB2_12-.Ltmp4, $4  }
0x161: {  	[tilespmem:s9+$0x70] =	vst v2  }
0x162: {  	_ =	swait.ge [sflag:s23], $0x2000  }
0x163: {  	[sflag:s23] =	ssyncset.done $0x0  }
0x164: {  	[sflag:s23] =	ssyncadd.s32 $0xFFFFE000  }
0x165: {  	s9 =	sshll.u32 s10, $0x9  }
0x166: {  	s9 =	sadd.s32 s14, s9  }
0x167: {  	s9 =	sshrl.u32 s9, $0x3  }
0x168: {  	s24 =	sshll.u32 s11, $0x9;
	s25 =	sadd.s32 s5, s9  }
0x169: {  	[tilespmem:s24], [sflag:$0x3] =	stream.linear.gather [hbm4b:s25+s4], $0x200, $0x38;
	[tilespmem:$0x1CA80] =	vst v63  }
.Ltmp5:
0x16a: {  	_ = 	snop;
	(pc) =	sbr.rel .LBB2_13-.Ltmp5, $4  }
0x16b: {  	s30 =	sadd.s32 $0x600, s24;
	s12 =	sadd.s32 s6, s9  }
0x16c: {  	[tilespmem:s30], [sflag:$0x3] =	stream.linear.gather [hbm4b:s12+s4], $0x200, $0x38;
	[tilespmem:$0x1CA80] =	vst v63  }
0x16d: {  	s10 =	sadd.s32 $0xC00, s24;
	s9 =	sadd.s32 s7, s9  }
0x16e: {  	[tilespmem:s10], [sflag:$0x3] =	stream.linear.gather [hbm4b:s9+s4], $0x200, $0x38;
	[tilespmem:$0x1CA80] =	vst v63  }
.LBB2_12:
0x16f: {  	p1 =	seq.s32 s30, $0x27  }
.Ltmp6:
0x170: {  	_ = 	snop;
	(pc) =	sbr.rel @p1 .LBB2_14-.Ltmp6, $2  }
0x171: {  	_ =	sdelay $0x2  }
0x172: {  	p0 =	por $0x1, $0x1  }
.LBB2_13:
0x173: {  	s9 =	sshll.u32 s31, $0x9  }
0x174: {  	p0 =	por $0x0, $0x0;
	s9 =	sadd.s32 $0x600, s9  }
0x175: {  	[tilespmem:s8], [sflag:$0x1] =	stream.indirect.gather [spmem:s2], $0x40, s9, s19, $0xb8;
	[tilespmem:$0x1CA80] =	vst v63  }
.LBB2_14:
0x176: {  	s9 =	simm.s32 $0x180  }
0x177: {  	v2 =	vmov s9  }
0x178: {  	v2 =	vand.u32 $0x1FE, v2  }
0x179: {  	v2 =	vor.u32 v1, v2  }
0x17a: {  	s24 =	sadd.s32 $0x100, s29;
	v2 =	vbroadcast v2, $0x0  }
0x17b: {  	[spmem:s3] =	stream.indirect.scatter.add.f32 [tilespmem:s22], [sflag:$0x2], $0x40, s24, s19, $0xb8;
	[tilespmem:$0x1CA80] =	vst v63  }
0x17c: {  	_ =	swait.ge [sflag:s21], $0x2000  }
0x17d: {  	[sflag:s21] =	ssyncset.done $0x0  }
0x17e: {  	s10 =	simm.s32 $0x7200;
	[sflag:s21] =	ssyncadd.s32 $0xFFFFE000  }
0x17f: {  	v3 =	vld [tilespmem:s10+$0x0]  }
0x180: {  	v2 =	vld.idx.msk [tilespmem:v2+s17+$0x0], $0xffff  }
0x181: {  	s25 =	simm.s32 $0x181;
	v4 =	vld [tilespmem:s10+$0x30]  }
0x182: {  	v6 =	vmov s25;
	v5 =	vld [tilespmem:s10+$0x10]  }
0x183: {  	v6 =	vand.u32 $0x1FF, v6;
	v7 =	vld [tilespmem:s10+$0x20]  }
0x184: {  	v6 =	vor.u32 v1, v6  }
0x185: {  	v6 =	vbroadcast v6, $0x0;
	v3 =	vmul.f32 v3, v2  }
0x186: {  	v4 =	vmul.f32 v4, v2  }
0x187: {  	[tilespmem:s10+$0x0] =	vst v3;
	v3 =	vmul.f32 v5, v2  }
0x188: {  	v2 =	vmul.f32 v7, v2;
	[tilespmem:s10+$0x30] =	vst v4  }
0x189: {  	v4 =	vld [tilespmem:s10+$0x40];
	[tilespmem:s10+$0x10] =	vst v3  }
0x18a: {  	v5 =	vld [tilespmem:s10+$0x50];
	[tilespmem:s10+$0x20] =	vst v2  }
0x18b: {  	v2 =	vld.idx.msk [tilespmem:v6+s17+$0x0], $0xffff  }
0x18c: {  	s30 =	simm.s32 $0x182;
	v3 =	vld [tilespmem:s10+$0x70]  }
0x18d: {  	v7 =	vmov s30;
	v6 =	vld [tilespmem:s10+$0x60]  }
0x18e: {  	s11 =	simm.s32 $0x0;
	s13 =	simm.s32 $0x2;
	s12 =	simm.s32 $0x7200;
	v7 =	vand.u32 $0x1FE, v7  }
.LBB2_15:
0x18f: {  	v7 =	vor.u32 v1, v7;
	s10 =	sadd.s32 $0x80, s10;
	s9 =	smov.u32 s13;
	s13 =	sadd.s32 $0x2, s13  }
0x190: {  	p1 =	slt.u32 s13, $0x7E;
	v7 =	vbroadcast v7, $0x0;
	v4 =	vmul.f32 v4, v2  }
0x191: {  	v3 =	vmul.f32 v3, v2;
	v5 =	vmul.f32 v5, v2  }
0x192: {  	[tilespmem:s12+$0x40] =	vst v4;
	v2 =	vmul.f32 v6, v2  }
0x193: {  	[tilespmem:s12+$0x50] =	vst v5  }
0x194: {  	v4 =	vld [tilespmem:s10+$0x30];
	[tilespmem:s12+$0x60] =	vst v2  }
0x195: {  	v2 =	vld [tilespmem:s10+$0x10];
	[tilespmem:s12+$0x70] =	vst v3;
	s12 =	smov.u32 s10  }
0x196: {  	v3 =	vld.idx.msk [tilespmem:v7+s17+$0x0], $0xffff  }
0x197: {  	v5 =	vld [tilespmem:s10+$0x0]  }
0x198: {  	s15 =	sadd.s32 $0x183, s11;
	s11 =	smov.u32 s9;
	v6 =	vld [tilespmem:s10+$0x20]  }
0x199: {  	v7 =	vmov s15  }
0x19a: {  	v7 =	vand.u32 $0x1FF, v7  }
0x19b: {  	v7 =	vor.u32 v1, v7  }
0x19c: {  	v7 =	vbroadcast v7, $0x0;
	v5 =	vmul.f32 v5, v3  }
0x19d: {  	v4 =	vmul.f32 v4, v3;
	v6 =	vmul.f32 v6, v3  }
0x19e: {  	v2 =	vmul.f32 v2, v3;
	[tilespmem:s10+$0x0] =	vst v5  }
0x19f: {  	[tilespmem:s10+$0x30] =	vst v4  }
0x1a0: {  	[tilespmem:s10+$0x10] =	vst v2  }
0x1a1: {  	[tilespmem:s10+$0x20] =	vst v6;
	v3 =	vld [tilespmem:s10+$0x70]  }
.Ltmp7:
0x1a2: {  	v2 =	vld.idx.msk [tilespmem:v7+s17+$0x0], $0xffff;
	(pc) =	sbr.rel @p1 .LBB2_15-.Ltmp7, $4  }
0x1a3: {  	v4 =	vld [tilespmem:s10+$0x40]  }
0x1a4: {  	s9 =	sadd.s32 $0x182, s11;
	v5 =	vld [tilespmem:s10+$0x50]  }
0x1a5: {  	v7 =	vmov s9;
	v6 =	vld [tilespmem:s10+$0x60]  }
0x1a6: {  	v7 =	vand.u32 $0x1FE, v7  }
0x1a7: {  	v7 =	vor.u32 v1, v7  }
0x1a8: {  	v4 =	vmul.f32 v4, v2;
	v7 =	vbroadcast v7, $0x0  }
0x1a9: {  	v5 =	vmul.f32 v5, v2  }
0x1aa: {  	[tilespmem:s12+$0x40] =	vst v4;
	v56 =	vmul.f32 v6, v2  }
0x1ab: {  	s9 =	sadd.s32 $0x80, s10;
	v2 =	vmul.f32 v3, v2;
	[tilespmem:s12+$0x50] =	vst v5  }
0x1ac: {  	v3 =	vld [tilespmem:s9+$0x30];
	[tilespmem:s12+$0x60] =	vst v56  }
0x1ad: {  	v57 =	vld [tilespmem:s9+$0x0];
	[tilespmem:s12+$0x70] =	vst v2  }
0x1ae: {  	v2 =	vld.idx.msk [tilespmem:v7+s17+$0x0], $0xffff  }
0x1af: {  	s25 =	sadd.s32 $0x183, s11  }
0x1b0: {  	v59 =	vmov s25;
	v58 =	vld [tilespmem:s9+$0x10]  }
0x1b1: {  	v6 =	vand.u32 $0x1FF, v59;
	v60 =	vld [tilespmem:s9+$0x20]  }
0x1b2: {  	v1 =	vor.u32 v1, v6  }
0x1b3: {  	v1 =	vbroadcast v1, $0x0;
	v4 =	vmul.f32 v57, v2  }
0x1b4: {  	v3 =	vmul.f32 v3, v2  }
0x1b5: {  	v61 =	vmul.f32 v58, v2;
	[tilespmem:s9+$0x0] =	vst v4  }
0x1b6: {  	v2 =	vmul.f32 v60, v2;
	[tilespmem:s9+$0x30] =	vst v3  }
0x1b7: {  	[tilespmem:s9+$0x10] =	vst v61  }
0x1b8: {  	[tilespmem:s9+$0x20] =	vst v2;
	v2 =	vld [tilespmem:s9+$0x40]  }
0x1b9: {  	v1 =	vld.idx.msk [tilespmem:v1+s17+$0x0], $0xffff  }
0x1ba: {  	v3 =	vld [tilespmem:s9+$0x50]  }
0x1bb: {  	v62 =	vld [tilespmem:s9+$0x60]  }
0x1bc: {  	v63 =	vld [tilespmem:s9+$0x70];
	_ =	sdelay $0x1  }
0x1bd: {  	v2 =	vmul.f32 v2, v1  }
0x1be: {  	v3 =	vmul.f32 v3, v1  }
0x1bf: {  	[tilespmem:s9+$0x40] =	vst v2;
	v2 =	vmul.f32 v62, v1  }
0x1c0: {  	v1 =	vmul.f32 v63, v1;
	[tilespmem:s9+$0x50] =	vst v3  }
0x1c1: {  	[tilespmem:s9+$0x60] =	vst v2  }
0x1c2: {  	[tilespmem:s9+$0x70] =	vst v1  }
0x1c3: {  	_ =	swait.ge [sflag:s23], $0x2000  }
0x1c4: {  	s10 =	simm.s32 @!p0 $0x80;
	s9 =	sshll.u32 @!p0 s31, $0x9;
	[sflag:s23] =	ssyncset.done $0x0  }
0x1c5: {  	s11 =	simm.s32 @!p0 $0x3200;
	s9 =	sadd.s32 @!p0 $0x680, s9;
	[sflag:s23] =	ssyncadd.s32 $0xFFFFE000  }
0x1c6: {  	[tilespmem:s11], [sflag:$0x1] =	stream.indirect.gather @!p0 [spmem:s2], $0x40, s9, s10, $0xb8;
	[tilespmem:$0x1CA80] =	vst v63  }
0x1c7: {  	p0 =	sne.s32 s0, $0x28  }
.Ltmp8:
0x1c8: {  	_ = 	snop;
	(pc) =	sbr.rel @p0 .LBB2_4-.Ltmp8, $3  }
0x1c9: {  	_ =	sdelay $0x1  }
0x1ca: {  	s30 =	smov.u32 s0;
	s31 =	sadd.s32 $0x180, s29  }
0x1cb: {  	[spmem:s3] =	stream.indirect.scatter.add.f32 [tilespmem:s16], [sflag:$0x2], $0x40, s31, s19, $0xb8;
	[tilespmem:$0x1CA80] =	vst v63  }
0x1cc: {  	_ =	swait.ge [sflag:s23], $0x2000  }
0x1cd: {  	[sflag:s23] =	ssyncset.done $0x0  }
0x1ce: {  	[sflag:s23] =	ssyncadd.s32 $0xFFFFE000  }
0x1cf: {  	_ =	swait.ge [sflag:s23], $0x2000  }
0x1d0: {  	[sflag:s23] =	ssyncset.done $0x0  }
0x1d1: {  	[sflag:s23] =	ssyncadd.s32 $0xFFFFE000  }
0x1d2: {  	[bflag:$0x0] =	sbarrier.arrive $0xFFFF  }
0x1d3: {  	s24 =	rddreg [dreg:$0x7]  }
0x1d4: {  	s11 =	simm.s32 $0x10;
	s9 =	rddreg [dreg:$0x6]  }
0x1d5: {  	s12 =	simm.s32 $0x8;
	s10 =	rddreg [dreg:$0xd];
	s0 =	sshrl.u32 s24, $0x3  }
0x1d6: {  	[hbm:s10@s11], [sflag:s9] =	dma.strided [spmem:s0@s12], $0x3E8, s21, $0x8   }
0x1d7: {  	_ =	swait.ge [sflag:s1], $0x3E8  }
0x1d8: {  	[sflag:s1] =	ssyncset.done $0x0;
	s25 =	rddreg [dreg:$0x8]  }
0x1d9: {  	s31 =	rddreg [dreg:$0xe];
	[sflag:s1] =	ssyncadd.s32 $0xFFFFFC18;
	s15 =	sshrl.u32 s25, $0x3  }
0x1da: {  	[hbm:s31@s11], [sflag:s9] =	dma.strided [spmem:s15@s12], $0x3E8, s21, $0x8   }
0x1db: {  	_ =	swait.ge [sflag:s1], $0x3E8  }
0x1dc: {  	[sflag:s1] =	ssyncset.done $0x0;
	s28 =	rddreg [dreg:$0x9]  }
0x1dd: {  	s13 =	rddreg [dreg:$0xf];
	[sflag:s1] =	ssyncadd.s32 $0xFFFFFC18;
	s10 =	sshrl.u32 s28, $0x3  }
0x1de: {  	[hbm:s13@s11], [sflag:s9] =	dma.strided [spmem:s10@s12], $0x3E8, s21, $0x8   }
0x1df: {  	_ =	swait.ge [sflag:s1], $0x3E8  }
0x1e0: {  	[sflag:s1] =	ssyncset.done $0x0;
	s29 =	rddreg [dreg:$0xa]  }
0x1e1: {  	s31 =	rddreg [dreg:$0x10];
	[sflag:s1] =	ssyncadd.s32 $0xFFFFFC18;
	s15 =	sshrl.u32 s29, $0x3  }
0x1e2: {  	[hbm:s31@s11], [sflag:s9] =	dma.strided [spmem:s15@s12], $0x3E8, s21, $0x8   }
0x1e3: {  	_ =	swait.ge [sflag:s1], $0x3E8  }
0x1e4: {  	[sflag:s1] =	ssyncset.done $0x0;
	s30 =	rddreg [dreg:$0xb]  }
0x1e5: {  	s15 =	rddreg [dreg:$0x11];
	[sflag:s1] =	ssyncadd.s32 $0xFFFFFC18;
	s13 =	sshrl.u32 s30, $0x3  }
0x1e6: {  	[hbm:s15@s11], [sflag:s9] =	dma.strided [spmem:s13@s12], $0x3E8, s21, $0x8   }
0x1e7: {  	_ =	swait.ge [sflag:s1], $0x3E8  }
0x1e8: {  	s26 =	sadd.s32 $0x1, s26;
	s31 =	rddreg [dreg:$0x1a]  }
0x1e9: {  	p0 =	sne.s32 s26, s31  }
.Ltmp9:
0x1ea: {  	_ = 	snop;
	(pc) =	sbr.rel @p0 .LBB2_1-.Ltmp9, $3  }
0x1eb: {  	_ =	sdelay $0x1  }
0x1ec: {  	[sflag:s1] =	ssyncset.done $0x0  }
0x1ed: {  	[sflag:s1] =	ssyncadd.s32 $0xFFFFFC18  }
0x1ee: {  	_ =	sfence.sel $0x180000  }
0x1ef: {  	[bflag:$0x0] =	sbarrier.arrive $0xFFFF  }
0x1f0: {  	_ =	strace $0x90000047  }
0x1f1: {  	s0 =	stileid.u32;
	[bflag:$0x2] =	sbarrier.arrive $0xFFFF  }
0x1f2: {  	p0 =	sne.s32 s0, $0x0;
	s0 =	rddreg [dreg:$0x4]  }
0x1f3: {  	s0 =	sadd.s32 @!p0 $0x100000, s0  }
0x1f4: {  	[sflag:s0] =	ssyncadd.tile.s32 @!p0 $0x1;
	_ =	shalt  }
.Lfunc_end2:
_tile_overlayer_lowered:
.L_overlay_start_2:
0x1f5: {  	(tag) =	ssettag $0x2  }
0x1f6: {  	s0 =	rddreg [dreg:$0x0];
	s2 =	stileid.u32  }
0x1f7: {  	s1 =	rddreg [dreg:$0x1];
	p0 =	sne.s32 s2, $0x0  }
0x1f8: {  	s3 =	rddreg [dreg:$0x2];
	[bflag:$0x3] =	sbarrier.arrive $0xFFFF;
	s2 =	simm.s32 @!p0 $0x1C04  }
0x1f9: {  	[timem:s3], [sflag:s2] =	dma.local @!p0 [hbm:s0], s1  }
0x1fa: {  	s0 =	simm.s32 @!p0 $0x4  }
0x1fb: {  	_ =	swait.ge @!p0 [sflag:s0], s1  }
0x1fc: {  	s1 =	ssub.s32 @!p0 $0x0, s1;
	[sflag:s0] =	ssyncset.done @!p0 $0x0  }
0x1fd: {  	[sflag:s0] =	ssyncadd.s32 @!p0 s1  }
0x1fe: {  	[bflag:$0x3] =	sbarrier.arrive $0xFFFF  }
0x1ff: {  	_ =	shalt  }

</sc_bundles>
